<compile_context>
chip_gen: v7x
topology: tpu7x:2x2x1
jax: 0.10.2.dev20260603
libtpu: 0.0.44.dev20260713+nightly
codegen_flags: <defaults>
</compile_context>

<pallas_src>
import dataclasses
import functools

import jax
import jax.numpy as jnp
from jax import lax
from jax.experimental import pallas as pl
from jax.experimental.pallas import tpu as pltpu
from jax.experimental.pallas import tpu_sc as plsc

B, D, O = 8192, 4096, 4096
RP = 512
CB = 512
BP = B + RP
NRP = BP // RP
NC = O // CB
GRP = 512
GW = 8

_MESH = plsc.VectorSubcoreMesh(core_axis_name="c", subcore_axis_name="s")

_SC_PARAMS = pltpu.CompilerParams()
if "needs_layout_passes" in pltpu.CompilerParams.__dataclass_fields__:
    _SC_PARAMS = dataclasses.replace(_SC_PARAMS, needs_layout_passes=False)


def _gate_body(bg_ref, x_ref, wg_ref, o_ref):
    g = jax.lax.dot_general(
        x_ref[...], wg_ref[...], (((1,), (0,)), ((), ())),
        preferred_element_type=jnp.float32,
    ) + bg_ref[0]
    o_ref[...] = jnp.broadcast_to(g, (GRP, 128))


def _gate(X, wg2, bg):
    return pl.pallas_call(
        _gate_body,
        grid=(B // GRP,),
        in_specs=[
            pl.BlockSpec(memory_space=pltpu.SMEM),
            pl.BlockSpec((GRP, D), lambda i: (i, 0)),
            pl.BlockSpec((D, 1), lambda i: (0, 0)),
        ],
        out_specs=pl.BlockSpec((GRP, 128), lambda i: (i, 0)),
        out_shape=jax.ShapeDtypeStruct((B, 128), jnp.float32),
    )(bg, X, wg2)


def _route(gate):
    @functools.partial(
        pl.kernel,
        out_type=(
            jax.ShapeDtypeStruct((BP,), jnp.int32),
            jax.ShapeDtypeStruct((B,), jnp.int32),
            jax.ShapeDtypeStruct((16,), jnp.int32),
        ),
        mesh=_MESH,
        compiler_params=_SC_PARAMS,
        scratch_types=[
            pltpu.VMEM((B,), jnp.float32),
            pltpu.VMEM((BP,), jnp.int32),
            pltpu.VMEM((B,), jnp.int32),
            pltpu.VMEM((16,), jnp.int32),
            pltpu.SMEM((4,), jnp.int32),
            pltpu.SemaphoreType.DMA,
        ],
    )
    def route_kernel(gate_hbm, perm_hbm, dst_hbm, meta_hbm,
                     gate_v, perm_v, dst_v, meta_v, cnt_s, sem):
        cid = lax.axis_index("c")
        sid = lax.axis_index("s")

        @pl.when(jnp.logical_and(cid == 0, sid == 0))
        def _():
            pltpu.async_copy(gate_hbm, gate_v, sem).wait()

            @pl.loop(0, BP // 16)
            def _(i):
                perm_v[pl.ds(i * 16, 16)] = jnp.zeros((16,), jnp.int32)

            cnt_s[0] = 0

            @pl.loop(0, B // 16)
            def _(i):
                m = (gate_v[pl.ds(i * 16, 16)] > 0.0).astype(jnp.int32)
                cnt_s[0] = cnt_s[0] + jnp.sum(m)

            n_exit = cnt_s[0]
            n_pad = ((n_exit + RP - 1) // RP) * RP
            cnt_s[3] = n_pad
            cnt_s[1] = 0
            cnt_s[2] = 0

            @pl.loop(0, B // 16)
            def _(i):
                g = gate_v[pl.ds(i * 16, 16)]
                m = g > 0.0
                mi = m.astype(jnp.int32)
                exc_e = plsc.cumsum(mi) - mi
                nmi = 1 - mi
                exc_f = plsc.cumsum(nmi) - nmi
                dste = cnt_s[1] + exc_e
                dstf = cnt_s[3] + cnt_s[2] + exc_f
                dstv = jnp.where(m, dste, dstf)
                dst_v[pl.ds(i * 16, 16)] = dstv
                srcv = i * 16 + lax.iota(jnp.int32, 16)
                plsc.store_scatter(perm_v, [dstv], srcv)
                ne = jnp.sum(mi)
                cnt_s[1] = cnt_s[1] + ne
                cnt_s[2] = cnt_s[2] + (16 - ne)

            meta_v[...] = jnp.full((16,), cnt_s[3] // RP, jnp.int32)
            pltpu.async_copy(perm_v, perm_hbm, sem).wait()
            pltpu.async_copy(dst_v, dst_hbm, sem).wait()
            pltpu.async_copy(meta_v, meta_hbm, sem).wait()

    return route_kernel(gate)


def _gather_rows(src, idx, n_rows, n_cols, dtype):
    per_w = n_rows // 32
    n_chunks = per_w // GW

    @functools.partial(
        pl.kernel,
        out_type=jax.ShapeDtypeStruct((n_rows, n_cols), dtype),
        mesh=_MESH,
        compiler_params=_SC_PARAMS,
        scratch_types=[
            pltpu.VMEM((per_w,), jnp.int32),
            pltpu.VMEM((GW, n_cols), dtype),
            pltpu.VMEM((GW, n_cols), dtype),
            pltpu.SemaphoreType.DMA,
            pltpu.SemaphoreType.DMA,
            pltpu.SemaphoreType.DMA,
        ],
    )
    def gather_kernel(src_hbm, idx_hbm, out_hbm,
                      idx_v, buf0, buf1, gsem0, gsem1, wsem):
        wid = lax.axis_index("s") * 2 + lax.axis_index("c")
        base = wid * per_w
        pltpu.sync_copy(idx_hbm.at[pl.ds(base, per_w)], idx_v)

        def start(c, buf, sem):
            pltpu.make_async_copy(
                src_hbm.at[idx_v.at[pl.ds(c * GW, GW)]], buf, sem).start()

        def finish(c, buf, sem):
            pltpu.make_async_copy(
                src_hbm.at[idx_v.at[pl.ds(c * GW, GW)]], buf, sem).wait()
            pltpu.make_async_copy(
                buf, out_hbm.at[pl.ds(base + c * GW, GW)], wsem).start()
            pltpu.make_async_copy(
                buf, out_hbm.at[pl.ds(base + c * GW, GW)], wsem).wait()

        start(0, buf0, gsem0)

        @pl.loop(0, n_chunks, step=2)
        def _(c):
            @pl.when(c + 1 < n_chunks)
            def _():
                start(c + 1, buf1, gsem1)

            finish(c, buf0, gsem0)

            @pl.when(c + 2 < n_chunks)
            def _():
                start(c + 2, buf0, gsem0)

            @pl.when(c + 1 < n_chunks)
            def _():
                finish(c + 1, buf1, gsem1)

    return gather_kernel(src, idx)


def _mm_body(meta_ref, x_ref, wc_ref, bc_ref, wm_ref, bm_ref, o_ref):
    r = pl.program_id(0)
    ncls = meta_ref[0]
    xb = x_ref[...]

    @pl.when(r < ncls)
    def _():
        o_ref[...] = jax.lax.dot_general(
            xb, wc_ref[...], (((1,), (0,)), ((), ())),
            preferred_element_type=jnp.float32,
        ) + bc_ref[0:1, :]

    @pl.when(r >= ncls)
    def _():
        o_ref[...] = jax.lax.dot_general(
            xb, wm_ref[...], (((1,), (0,)), ((), ())),
            preferred_element_type=jnp.float32,
        ) + bm_ref[0:1, :]


def _matmul(meta1, Xp, Wc16, bc8, Wm16, bm8):
    grid_spec = pltpu.PrefetchScalarGridSpec(
        num_scalar_prefetch=1,
        grid=(NRP, NC),
        in_specs=[
            pl.BlockSpec((RP, D), lambda r, c, m: (r, 0)),
            pl.BlockSpec((D, CB), lambda r, c, m: (0, jnp.where(r < m[0], c, 0))),
            pl.BlockSpec((8, CB), lambda r, c, m: (0, jnp.where(r < m[0], c, 0))),
            pl.BlockSpec((D, CB), lambda r, c, m: (0, jnp.where(r < m[0], 0, c))),
            pl.BlockSpec((8, CB), lambda r, c, m: (0, jnp.where(r < m[0], 0, c))),
        ],
        out_specs=pl.BlockSpec((RP, CB), lambda r, c, m: (r, c)),
    )
    return pl.pallas_call(
        _mm_body,
        grid_spec=grid_spec,
        out_shape=jax.ShapeDtypeStruct((BP, O), jnp.float32),
    )(meta1, Xp, Wc16, bc8, Wm16, bm8)


def kernel(X, w_gate, b_gate, W_cls, b_cls, W_mod, b_mod):
    wg2 = w_gate.reshape(D, 1).astype(jnp.bfloat16)
    bg = b_gate.reshape(1)
    bc8 = jnp.broadcast_to(b_cls.reshape(1, O), (8, O))
    bm8 = jnp.broadcast_to(b_mod.reshape(1, O), (8, O))
    Wc16 = W_cls.astype(jnp.bfloat16)
    Wm16 = W_mod.astype(jnp.bfloat16)
    Xb = X.astype(jnp.bfloat16)

    gate2d = _gate(Xb, wg2, bg)
    gate = gate2d[:, 0]
    perm, dst, meta = _route(gate)
    Xb32 = jax.lax.bitcast_convert_type(Xb.reshape(B, D // 2, 2), jnp.int32)
    Xp32 = _gather_rows(Xb32, perm, BP, D // 2, jnp.int32)
    Xp = jax.lax.bitcast_convert_type(Xp32, jnp.bfloat16).reshape(BP, D)
    Yp = _matmul(meta[:1], Xp, Wc16, bc8, Wm16, bm8)
    y = _gather_rows(Yp, dst, B, O, jnp.float32)
    return y

# --- scband reference (transcript-rebuilt; emitter-appended) ---
"""Pipeline reference for scband-optional-exit-module-8555574853917 (READ-ONLY COPY).

The authoritative reference and input builder live on the scoring server;
editing this copy changes nothing except your own understanding.
"""

import jax, jax.numpy as jnp
import numpy as np

B, D, O = 8192, 4096, 4096

def setup_inputs(seed: int = 0) -> dict:
    key = jax.random.key(seed)
    ks = jax.random.split(key, 7)
    X = jax.random.normal(ks[0], (B, D), dtype=jnp.float32)
    # exit_gate: nn.Linear(flat_size, 1) -> weight vector [D], bias scalar
    w_gate = jax.random.uniform(ks[1], (D,), dtype=jnp.float32, minval=-1.0, maxval=1.0) / np.sqrt(D)
    b_gate = jax.random.uniform(ks[2], (), dtype=jnp.float32, minval=-1.0, maxval=1.0) / np.sqrt(D)
    # classifier: nn.Linear(flat_size, num_outputs) -> [D, O]
    W_cls = jax.random.uniform(ks[3], (D, O), dtype=jnp.float32, minval=-1.0, maxval=1.0) / np.sqrt(D)
    b_cls = jax.random.uniform(ks[4], (O,), dtype=jnp.float32, minval=-1.0, maxval=1.0) / np.sqrt(D)
    # wrapped module: nn.Linear(4096, 4096) -> [D, O]
    W_mod = jax.random.uniform(ks[5], (D, O), dtype=jnp.float32, minval=-1.0, maxval=1.0) / np.sqrt(D)
    b_mod = jax.random.uniform(ks[6], (O,), dtype=jnp.float32, minval=-1.0, maxval=1.0) / np.sqrt(D)
    return {"X": X, "w_gate": w_gate, "b_gate": b_gate, "W_cls": W_cls, "b_cls": b_cls, "W_mod": W_mod, "b_mod": b_mod}

def reference(X, w_gate, b_gate, W_cls, b_cls, W_mod, b_mod):
    # X_flat = torch.flatten(X, start_dim=1)
    X_flat = X.reshape(X.shape[0], -1)
    # take_exit = flatten(exit_gate(X_flat))
    take_exit = X_flat @ w_gate + b_gate
    exit_mask = take_exit > 0
    # exit branch: classifier on exited rows
    y_classify = X_flat @ W_cls + b_cls
    # forward branch: wrapped module on non-exited rows
    y_forward = X @ W_mod + b_mod
    # y[exit_mask] = y_classify; y[~exit_mask] = y_forward
    y = jnp.where(exit_mask[:, None], y_classify, y_forward)
    return y

if __name__ == "__main__":
    import jax
    _d = setup_inputs()
    print(jax.jit(kernel)(*tuple(_d.values())))

</pallas_src>

<mosaic_0001>
#map = affine_map<(d0, d1) -> (0)>
module attributes {stable_mosaic.version = 14 : i64} {
  func.func @route_kernel(%arg0: i32, %arg1: i32, %arg2: memref<8192xf32, #tpu.memory_space<hbm>>, %arg3: memref<8704xi32, #tpu.memory_space<hbm>>, %arg4: memref<8192xi32, #tpu.memory_space<hbm>>, %arg5: memref<16xi32, #tpu.memory_space<hbm>>, %arg6: memref<8192xf32, #tpu.memory_space<vmem>>, %arg7: memref<8704xi32, #tpu.memory_space<vmem>>, %arg8: memref<8192xi32, #tpu.memory_space<vmem>>, %arg9: memref<16xi32, #tpu.memory_space<vmem>>, %arg10: memref<4xi32, #tpu.memory_space<smem>>, %arg11: memref<!tpu.dma_semaphore, #tpu.memory_space<semaphore_mem>>) attributes {dimension_semantics = [#tpu.dimension_semantics<core_parallel>, #tpu.dimension_semantics<subcore_parallel>], iteration_bounds = array<i64: 2, 16>, scalar_prefetch = 0 : i64, scratch_operands = 6 : i64, tpu.core_type = #tpu.core_type<sc_vector_subcore>, window_params = [{transform_indices = #map}, {transform_indices = #map}, {transform_indices = #map}, {transform_indices = #map}]} {
    %eq3A = arith.constant 0 : i32
    %eq3A_0 = arith.cmpi eq, %arg0, %eq3A : i32
    %eq3A_1 = arith.constant 0 : i32
    %eq3A_2 = arith.cmpi eq, %arg1, %eq3A_1 : i32
    %and3A = arith.andi %eq3A_0, %eq3A_2 : i1
    %convert_element_type3A = arith.extui %and3A : i1 to i32
    %cond3A = arith.constant 0 : i32
    %cond3A_3 = arith.cmpi ne, %convert_element_type3A, %cond3A : i32
    scf.if %cond3A_3 {
      tpu.enqueue_dma source(%arg2 : memref<8192xf32, #tpu.memory_space<hbm>>) target(%arg6 : memref<8192xf32, #tpu.memory_space<vmem>>) target_semaphore(%arg11 : memref<!tpu.dma_semaphore, #tpu.memory_space<semaphore_mem>>)
      tpu.wait_dma2 semaphore(%arg11 : memref<!tpu.dma_semaphore, #tpu.memory_space<semaphore_mem>>) src(%arg2 : memref<8192xf32, #tpu.memory_space<hbm>>) dst(%arg6 : memref<8192xf32, #tpu.memory_space<vmem>>)
      %scan3A = arith.constant 0 : i32
      %scan3A_4 = arith.constant 544 : i32
      %scan3A_5 = arith.addi %scan3A, %scan3A_4 : i32
      %scan3A_6 = arith.constant 1 : i32
      scf.for %scan3A_84 = %scan3A to %scan3A_5 step %scan3A_6  : i32 {
        %mul3A_85 = arith.constant 1 : i32
        %mul3A_86 = arith.muli %scan3A_84, %mul3A_85 : i32
        %add3A_87 = arith.constant 0 : i32
        %add3A_88 = arith.addi %add3A_87, %mul3A_86 : i32
        %broadcast_in_dim3A_89 = arith.constant 0 : i32
        %broadcast_in_dim3A_90 = vector.broadcast %broadcast_in_dim3A_89 : i32 to vector<16xi32>
        %mul3A_91 = arith.constant 16 : i32
        %mul3A_92 = arith.muli %add3A_88, %mul3A_91 : i32
        %swap3A_93 = arith.index_cast %mul3A_92 : i32 to index
        %swap3A_94 = tpu.vector_load %arg7[%swap3A_93] {strides = array<i32>} : memref<8704xi32, #tpu.memory_space<vmem>>, vector<16xi32>,
        tpu.vector_store %arg7[%swap3A_93], %broadcast_in_dim3A_90 {strides = array<i32>} : memref<8704xi32, #tpu.memory_space<vmem>>, vector<16xi32>,
      }
      %scan3A_7 = arith.constant 544 : i32
      %swap3A = arith.constant 0 : i32
      %swap3A_8 = arith.constant 0 : i32
      %swap3A_9 = arith.index_cast %swap3A_8 : i32 to index
      %swap3A_10 = memref.load %arg10[%swap3A_9] : memref<4xi32, #tpu.memory_space<smem>>
      memref.store %swap3A, %arg10[%swap3A_9] : memref<4xi32, #tpu.memory_space<smem>>
      %scan3A_11 = arith.constant 0 : i32
      %scan3A_12 = arith.constant 512 : i32
      %scan3A_13 = arith.addi %scan3A_11, %scan3A_12 : i32
      %scan3A_14 = arith.constant 1 : i32
      scf.for %scan3A_84 = %scan3A_11 to %scan3A_13 step %scan3A_14  : i32 {
        %mul3A_85 = arith.constant 1 : i32
        %mul3A_86 = arith.muli %scan3A_84, %mul3A_85 : i32
        %add3A_87 = arith.constant 0 : i32
        %add3A_88 = arith.addi %add3A_87, %mul3A_86 : i32
        %mul3A_89 = arith.constant 16 : i32
        %mul3A_90 = arith.muli %add3A_88, %mul3A_89 : i32
        %get3A_91 = arith.index_cast %mul3A_90 : i32 to index
        %get3A_92 = tpu.vector_load %arg6[%get3A_91] {strides = array<i32>} : memref<8192xf32, #tpu.memory_space<vmem>>, vector<16xf32>,
        %gt3A = arith.constant 0.000000e+00 : f32
        %gt3A_93 = vector.broadcast %gt3A : f32 to vector<16xf32>
        %gt3A_94 = arith.cmpf ogt, %get3A_92, %gt3A_93 : vector<16xf32>
        %convert_element_type3A_95 = arith.extui %gt3A_94 : vector<16xi1> to vector<16xi32>
        %get3A_96 = arith.constant 0 : i32
        %get3A_97 = arith.index_cast %get3A_96 : i32 to index
        %get3A_98 = memref.load %arg10[%get3A_97] : memref<4xi32, #tpu.memory_space<smem>>
        %reduce_sum3A = arith.constant true
        %reduce_sum3A_99 = vector.broadcast %reduce_sum3A : i1 to vector<16xi1>
        %reduce_sum3A_100 = tpu.scan <sum>, %convert_element_type3A_95 masked %reduce_sum3A_99 : vector<16xi32>, vector<16xi1> -> vector<16xi32>
        %reduce_sum3A_101 = vector.extract %reduce_sum3A_100[15] : i32 from vector<16xi32>
        %add3A_102 = arith.addi %get3A_98, %reduce_sum3A_101 : i32
        %swap3A_103 = arith.constant 0 : i32
        %swap3A_104 = arith.index_cast %swap3A_103 : i32 to index
        %swap3A_105 = memref.load %arg10[%swap3A_104] : memref<4xi32, #tpu.memory_space<smem>>
        memref.store %add3A_102, %arg10[%swap3A_104] : memref<4xi32, #tpu.memory_space<smem>>
      }
      %scan3A_15 = arith.constant 512 : i32
      %get3A = arith.constant 0 : i32
      %get3A_16 = arith.index_cast %get3A : i32 to index
      %get3A_17 = memref.load %arg10[%get3A_16] : memref<4xi32, #tpu.memory_space<smem>>
      %add3A = arith.constant 512 : i32
      %add3A_18 = arith.addi %get3A_17, %add3A : i32
      %sub3A = arith.constant 1 : i32
      %sub3A_19 = arith.subi %add3A_18, %sub3A : i32
      %jit3A = arith.constant 512 : i32
      %div3A = arith.divsi %sub3A_19, %jit3A : i32
      %sign3A = arith.constant 0 : i32
      %sign3A_20 = arith.cmpi sgt, %sub3A_19, %sign3A : i32
      %sign3A_21 = arith.extui %sign3A_20 : i1 to i32
      %sign3A_22 = arith.constant 0 : i32
      %sign3A_23 = arith.cmpi slt, %sub3A_19, %sign3A_22 : i32
      %sign3A_24 = arith.extui %sign3A_23 : i1 to i32
      %sign3A_25 = arith.subi %sign3A_21, %sign3A_24 : i32
      %sign3A_26 = arith.constant 0 : i32
      %sign3A_27 = arith.cmpi sgt, %jit3A, %sign3A_26 : i32
      %sign3A_28 = arith.extui %sign3A_27 : i1 to i32
      %sign3A_29 = arith.constant 0 : i32
      %sign3A_30 = arith.cmpi slt, %jit3A, %sign3A_29 : i32
      %sign3A_31 = arith.extui %sign3A_30 : i1 to i32
      %sign3A_32 = arith.subi %sign3A_28, %sign3A_31 : i32
      %ne3A = arith.cmpi ne, %sign3A_25, %sign3A_32 : i32
      %rem3A = arith.remsi %sub3A_19, %jit3A : i32
      %ne3A_33 = arith.constant 0 : i32
      %ne3A_34 = arith.cmpi ne, %rem3A, %ne3A_33 : i32
      %and3A_35 = arith.andi %ne3A, %ne3A_34 : i1
      %sub3A_36 = arith.constant 1 : i32
      %sub3A_37 = arith.subi %div3A, %sub3A_36 : i32
      %select_n3A = arith.select %and3A_35, %sub3A_37, %div3A : i32
      %mul3A = arith.constant 512 : i32
      %mul3A_38 = arith.muli %select_n3A, %mul3A : i32
      %swap3A_39 = arith.constant 3 : i32
      %swap3A_40 = arith.index_cast %swap3A_39 : i32 to index
      %swap3A_41 = memref.load %arg10[%swap3A_40] : memref<4xi32, #tpu.memory_space<smem>>
      memref.store %mul3A_38, %arg10[%swap3A_40] : memref<4xi32, #tpu.memory_space<smem>>
      %swap3A_42 = arith.constant 0 : i32
      %swap3A_43 = arith.constant 1 : i32
      %swap3A_44 = arith.index_cast %swap3A_43 : i32 to index
      %swap3A_45 = memref.load %arg10[%swap3A_44] : memref<4xi32, #tpu.memory_space<smem>>
      memref.store %swap3A_42, %arg10[%swap3A_44] : memref<4xi32, #tpu.memory_space<smem>>
      %swap3A_46 = arith.constant 0 : i32
      %swap3A_47 = arith.constant 2 : i32
      %swap3A_48 = arith.index_cast %swap3A_47 : i32 to index
      %swap3A_49 = memref.load %arg10[%swap3A_48] : memref<4xi32, #tpu.memory_space<smem>>
      memref.store %swap3A_46, %arg10[%swap3A_48] : memref<4xi32, #tpu.memory_space<smem>>
      %scan3A_50 = arith.constant 0 : i32
      %scan3A_51 = arith.constant 512 : i32
      %scan3A_52 = arith.addi %scan3A_50, %scan3A_51 : i32
      %scan3A_53 = arith.constant 1 : i32
      scf.for %scan3A_84 = %scan3A_50 to %scan3A_52 step %scan3A_53  : i32 {
        %mul3A_85 = arith.constant 1 : i32
        %mul3A_86 = arith.muli %scan3A_84, %mul3A_85 : i32
        %add3A_87 = arith.constant 0 : i32
        %add3A_88 = arith.addi %add3A_87, %mul3A_86 : i32
        %mul3A_89 = arith.constant 16 : i32
        %mul3A_90 = arith.muli %add3A_88, %mul3A_89 : i32
        %get3A_91 = arith.index_cast %mul3A_90 : i32 to index
        %get3A_92 = tpu.vector_load %arg6[%get3A_91] {strides = array<i32>} : memref<8192xf32, #tpu.memory_space<vmem>>, vector<16xf32>,
        %gt3A = arith.constant 0.000000e+00 : f32
        %gt3A_93 = vector.broadcast %gt3A : f32 to vector<16xf32>
        %gt3A_94 = arith.cmpf ogt, %get3A_92, %gt3A_93 : vector<16xf32>
        %convert_element_type3A_95 = arith.extui %gt3A_94 : vector<16xi1> to vector<16xi32>
        %broadcast_in_dim3A_96 = arith.constant true
        %broadcast_in_dim3A_97 = vector.broadcast %broadcast_in_dim3A_96 : i1 to vector<16xi1>
        %masked_cumsum3A = tpu.scan <sum>, %convert_element_type3A_95 masked %broadcast_in_dim3A_97 : vector<16xi32>, vector<16xi1> -> vector<16xi32>
        %sub3A_98 = arith.subi %masked_cumsum3A, %convert_element_type3A_95 : vector<16xi32>
        %sub3A_99 = arith.constant 1 : i32
        %sub3A_100 = vector.broadcast %sub3A_99 : i32 to vector<16xi32>
        %sub3A_101 = arith.subi %sub3A_100, %convert_element_type3A_95 : vector<16xi32>
        %broadcast_in_dim3A_102 = arith.constant true
        %broadcast_in_dim3A_103 = vector.broadcast %broadcast_in_dim3A_102 : i1 to vector<16xi1>
        %masked_cumsum3A_104 = tpu.scan <sum>, %sub3A_101 masked %broadcast_in_dim3A_103 : vector<16xi32>, vector<16xi1> -> vector<16xi32>
        %sub3A_105 = arith.subi %masked_cumsum3A_104, %sub3A_101 : vector<16xi32>
        %get3A_106 = arith.constant 1 : i32
        %get3A_107 = arith.index_cast %get3A_106 : i32 to index
        %get3A_108 = memref.load %arg10[%get3A_107] : memref<4xi32, #tpu.memory_space<smem>>
        %add3A_109 = vector.broadcast %get3A_108 : i32 to vector<16xi32>
        %add3A_110 = arith.addi %add3A_109, %sub3A_98 : vector<16xi32>
        %get3A_111 = arith.constant 3 : i32
        %get3A_112 = arith.index_cast %get3A_111 : i32 to index
        %get3A_113 = memref.load %arg10[%get3A_112] : memref<4xi32, #tpu.memory_space<smem>>
        %get3A_114 = arith.constant 2 : i32
        %get3A_115 = arith.index_cast %get3A_114 : i32 to index
        %get3A_116 = memref.load %arg10[%get3A_115] : memref<4xi32, #tpu.memory_space<smem>>
        %add3A_117 = arith.addi %get3A_113, %get3A_116 : i32
        %add3A_118 = vector.broadcast %add3A_117 : i32 to vector<16xi32>
        %add3A_119 = arith.addi %add3A_118, %sub3A_105 : vector<16xi32>
        %select_n3A_120 = arith.select %gt3A_94, %add3A_110, %add3A_119 : vector<16xi1>, vector<16xi32>
        %mul3A_121 = arith.constant 16 : i32
        %mul3A_122 = arith.muli %add3A_88, %mul3A_121 : i32
        %swap3A_123 = arith.index_cast %mul3A_122 : i32 to index
        %swap3A_124 = tpu.vector_load %arg8[%swap3A_123] {strides = array<i32>} : memref<8192xi32, #tpu.memory_space<vmem>>, vector<16xi32>,
        tpu.vector_store %arg8[%swap3A_123], %select_n3A_120 {strides = array<i32>} : memref<8192xi32, #tpu.memory_space<vmem>>, vector<16xi32>,
        %mul3A_125 = arith.constant 16 : i32
        %mul3A_126 = arith.muli %add3A_88, %mul3A_125 : i32
        %iota3A = tpu.iota {dimensions = array<i32: 0>} : vector<16xi32>
        %add3A_127 = vector.broadcast %mul3A_126 : i32 to vector<16xi32>
        %add3A_128 = arith.addi %add3A_127, %iota3A : vector<16xi32>
        tpu.vector_store_idx %arg7[%select_n3A_120], %add3A_128 : memref<8704xi32, #tpu.memory_space<vmem>>[vector<16xi32>], vector<16xi32>,
        %reduce_sum3A = arith.constant true
        %reduce_sum3A_129 = vector.broadcast %reduce_sum3A : i1 to vector<16xi1>
        %reduce_sum3A_130 = tpu.scan <sum>, %convert_element_type3A_95 masked %reduce_sum3A_129 : vector<16xi32>, vector<16xi1> -> vector<16xi32>
        %reduce_sum3A_131 = vector.extract %reduce_sum3A_130[15] : i32 from vector<16xi32>
        %get3A_132 = arith.constant 1 : i32
        %get3A_133 = arith.index_cast %get3A_132 : i32 to index
        %get3A_134 = memref.load %arg10[%get3A_133] : memref<4xi32, #tpu.memory_space<smem>>
        %add3A_135 = arith.addi %get3A_134, %reduce_sum3A_131 : i32
        %swap3A_136 = arith.constant 1 : i32
        %swap3A_137 = arith.index_cast %swap3A_136 : i32 to index
        %swap3A_138 = memref.load %arg10[%swap3A_137] : memref<4xi32, #tpu.memory_space<smem>>
        memref.store %add3A_135, %arg10[%swap3A_137] : memref<4xi32, #tpu.memory_space<smem>>
        %get3A_139 = arith.constant 2 : i32
        %get3A_140 = arith.index_cast %get3A_139 : i32 to index
        %get3A_141 = memref.load %arg10[%get3A_140] : memref<4xi32, #tpu.memory_space<smem>>
        %sub3A_142 = arith.constant 16 : i32
        %sub3A_143 = arith.subi %sub3A_142, %reduce_sum3A_131 : i32
        %add3A_144 = arith.addi %get3A_141, %sub3A_143 : i32
        %swap3A_145 = arith.constant 2 : i32
        %swap3A_146 = arith.index_cast %swap3A_145 : i32 to index
        %swap3A_147 = memref.load %arg10[%swap3A_146] : memref<4xi32, #tpu.memory_space<smem>>
        memref.store %add3A_144, %arg10[%swap3A_146] : memref<4xi32, #tpu.memory_space<smem>>
      }
      %scan3A_54 = arith.constant 512 : i32
      %get3A_55 = arith.constant 3 : i32
      %get3A_56 = arith.index_cast %get3A_55 : i32 to index
      %get3A_57 = memref.load %arg10[%get3A_56] : memref<4xi32, #tpu.memory_space<smem>>
      %jit3A_58 = arith.constant 512 : i32
      %div3A_59 = arith.divsi %get3A_57, %jit3A_58 : i32
      %sign3A_60 = arith.constant 0 : i32
      %sign3A_61 = arith.cmpi sgt, %get3A_57, %sign3A_60 : i32
      %sign3A_62 = arith.extui %sign3A_61 : i1 to i32
      %sign3A_63 = arith.constant 0 : i32
      %sign3A_64 = arith.cmpi slt, %get3A_57, %sign3A_63 : i32
      %sign3A_65 = arith.extui %sign3A_64 : i1 to i32
      %sign3A_66 = arith.subi %sign3A_62, %sign3A_65 : i32
      %sign3A_67 = arith.constant 0 : i32
      %sign3A_68 = arith.cmpi sgt, %jit3A_58, %sign3A_67 : i32
      %sign3A_69 = arith.extui %sign3A_68 : i1 to i32
      %sign3A_70 = arith.constant 0 : i32
      %sign3A_71 = arith.cmpi slt, %jit3A_58, %sign3A_70 : i32
      %sign3A_72 = arith.extui %sign3A_71 : i1 to i32
      %sign3A_73 = arith.subi %sign3A_69, %sign3A_72 : i32
      %ne3A_74 = arith.cmpi ne, %sign3A_66, %sign3A_73 : i32
      %rem3A_75 = arith.remsi %get3A_57, %jit3A_58 : i32
      %ne3A_76 = arith.constant 0 : i32
      %ne3A_77 = arith.cmpi ne, %rem3A_75, %ne3A_76 : i32
      %and3A_78 = arith.andi %ne3A_74, %ne3A_77 : i1
      %sub3A_79 = arith.constant 1 : i32
      %sub3A_80 = arith.subi %div3A_59, %sub3A_79 : i32
      %select_n3A_81 = arith.select %and3A_78, %sub3A_80, %div3A_59 : i32
      %broadcast_in_dim3A = vector.broadcast %select_n3A_81 : i32 to vector<16xi32>
      %swap3A_82 = arith.constant 0 : index
      %swap3A_83 = tpu.vector_load %arg9[%swap3A_82] {strides = array<i32>} : memref<16xi32, #tpu.memory_space<vmem>>, vector<16xi32>,
      tpu.vector_store %arg9[%swap3A_82], %broadcast_in_dim3A {strides = array<i32>} : memref<16xi32, #tpu.memory_space<vmem>>, vector<16xi32>,
      tpu.enqueue_dma source(%arg7 : memref<8704xi32, #tpu.memory_space<vmem>>) target(%arg3 : memref<8704xi32, #tpu.memory_space<hbm>>) target_semaphore(%arg11 : memref<!tpu.dma_semaphore, #tpu.memory_space<semaphore_mem>>)
      tpu.wait_dma2 semaphore(%arg11 : memref<!tpu.dma_semaphore, #tpu.memory_space<semaphore_mem>>) src(%arg7 : memref<8704xi32, #tpu.memory_space<vmem>>) dst(%arg3 : memref<8704xi32, #tpu.memory_space<hbm>>)
      tpu.enqueue_dma source(%arg8 : memref<8192xi32, #tpu.memory_space<vmem>>) target(%arg4 : memref<8192xi32, #tpu.memory_space<hbm>>) target_semaphore(%arg11 : memref<!tpu.dma_semaphore, #tpu.memory_space<semaphore_mem>>)
      tpu.wait_dma2 semaphore(%arg11 : memref<!tpu.dma_semaphore, #tpu.memory_space<semaphore_mem>>) src(%arg8 : memref<8192xi32, #tpu.memory_space<vmem>>) dst(%arg4 : memref<8192xi32, #tpu.memory_space<hbm>>)
      tpu.enqueue_dma source(%arg9 : memref<16xi32, #tpu.memory_space<vmem>>) target(%arg5 : memref<16xi32, #tpu.memory_space<hbm>>) target_semaphore(%arg11 : memref<!tpu.dma_semaphore, #tpu.memory_space<semaphore_mem>>)
      tpu.wait_dma2 semaphore(%arg11 : memref<!tpu.dma_semaphore, #tpu.memory_space<semaphore_mem>>) src(%arg9 : memref<16xi32, #tpu.memory_space<vmem>>) dst(%arg5 : memref<16xi32, #tpu.memory_space<hbm>>)
    } else {
    }
    return
  }
}

#map = affine_map<(d0, d1) -> (0, 0)>
#map1 = affine_map<(d0, d1) -> (0)>
module attributes {stable_mosaic.version = 14 : i64} {
  func.func @gather_kernel(%arg0: i32, %arg1: i32, %arg2: memref<8192x2048xi32, #tpu.memory_space<hbm>>, %arg3: memref<8704xi32, #tpu.memory_space<hbm>>, %arg4: memref<8704x2048xi32, #tpu.memory_space<hbm>>, %arg5: memref<272xi32, #tpu.memory_space<vmem>>, %arg6: memref<8x2048xi32, #tpu.memory_space<vmem>>, %arg7: memref<8x2048xi32, #tpu.memory_space<vmem>>, %arg8: memref<!tpu.dma_semaphore, #tpu.memory_space<semaphore_mem>>, %arg9: memref<!tpu.dma_semaphore, #tpu.memory_space<semaphore_mem>>, %arg10: memref<!tpu.dma_semaphore, #tpu.memory_space<semaphore_mem>>) attributes {dimension_semantics = [#tpu.dimension_semantics<core_parallel>, #tpu.dimension_semantics<subcore_parallel>], iteration_bounds = array<i64: 2, 16>, scalar_prefetch = 0 : i64, scratch_operands = 6 : i64, tpu.core_type = #tpu.core_type<sc_vector_subcore>, window_params = [{transform_indices = #map}, {transform_indices = #map1}, {transform_indices = #map}]} {
    %mul3A = arith.constant 2 : i32
    %mul3A_0 = arith.muli %arg1, %mul3A : i32
    %add3A = arith.addi %mul3A_0, %arg0 : i32
    %mul3A_1 = arith.constant 272 : i32
    %mul3A_2 = arith.muli %add3A, %mul3A_1 : i32
    "tpu.region"() ({
      %run_scoped3A = tpu.sem_alloc : memref<!tpu.dma_semaphore, #tpu.memory_space<semaphore_mem>>
      %dma_start3A_11 = tpu.memref_slice %arg3[%mul3A_2] : memref<8704xi32, #tpu.memory_space<hbm>> -> memref<272xi32, #tpu.memory_space<hbm>>
      %dma_start3A_12 = tpu.memref_slice %arg3[%mul3A_2] : memref<8704xi32, #tpu.memory_space<hbm>> -> memref<272xi32, #tpu.memory_space<hbm>>
      tpu.enqueue_dma source(%dma_start3A_12 : memref<272xi32, #tpu.memory_space<hbm>>) target(%arg5 : memref<272xi32, #tpu.memory_space<vmem>>) target_semaphore(%run_scoped3A : memref<!tpu.dma_semaphore, #tpu.memory_space<semaphore_mem>>)
      %dma_wait3A = tpu.memref_slice %arg3[%mul3A_2] : memref<8704xi32, #tpu.memory_space<hbm>> -> memref<272xi32, #tpu.memory_space<hbm>>
      %dma_wait3A_13 = tpu.memref_slice %arg3[%mul3A_2] : memref<8704xi32, #tpu.memory_space<hbm>> -> memref<272xi32, #tpu.memory_space<hbm>>
      tpu.wait_dma2 semaphore(%run_scoped3A : memref<!tpu.dma_semaphore, #tpu.memory_space<semaphore_mem>>) src(%dma_wait3A_13 : memref<272xi32, #tpu.memory_space<hbm>>) dst(%arg5 : memref<272xi32, #tpu.memory_space<vmem>>)
      tpu.yield
    }) : () -> ()
    %dma_start3A = arith.constant 0 : i32
    %dma_start3A_3 = tpu.memref_slice %arg5[%dma_start3A] : memref<272xi32, #tpu.memory_space<vmem>> -> memref<8xi32, #tpu.memory_space<vmem>>
    %dma_start3A_4 = arith.constant 0 : i32
    %dma_start3A_5 = arith.constant 0 : i32
    %dma_start3A_6 = tpu.memref_slice %arg2[%dma_start3A_4, %dma_start3A_5] : memref<8192x2048xi32, #tpu.memory_space<hbm>> -> memref<8192x2048xi32, #tpu.memory_space<hbm>>
    tpu.enqueue_indirect_dma source(%dma_start3A_6 : memref<8192x2048xi32, #tpu.memory_space<hbm>>) target(%arg6 : memref<8x2048xi32, #tpu.memory_space<vmem>>) offsets(%dma_start3A_3 : memref<8xi32, #tpu.memory_space<vmem>>) semaphore(%arg8 : memref<!tpu.dma_semaphore, #tpu.memory_space<semaphore_mem>>)
    %scan3A = arith.constant 0 : i32
    %scan3A_7 = arith.constant 17 : i32
    %scan3A_8 = arith.addi %scan3A, %scan3A_7 : i32
    %scan3A_9 = arith.constant 1 : i32
    scf.for %scan3A_11 = %scan3A to %scan3A_8 step %scan3A_9  : i32 {
      %mul3A_12 = arith.constant 2 : i32
      %mul3A_13 = arith.muli %scan3A_11, %mul3A_12 : i32
      %add3A_14 = arith.constant 0 : i32
      %add3A_15 = arith.addi %add3A_14, %mul3A_13 : i32
      %add3A_16 = arith.constant 1 : i32
      %add3A_17 = arith.addi %add3A_15, %add3A_16 : i32
      %lt3A = arith.constant 34 : i32
      %lt3A_18 = arith.cmpi slt, %add3A_17, %lt3A : i32
      %convert_element_type3A = arith.extui %lt3A_18 : i1 to i32
      %cond3A = arith.constant 0 : i32
      %cond3A_19 = arith.cmpi ne, %convert_element_type3A, %cond3A : i32
      scf.if %cond3A_19 {
        %add3A_53 = arith.constant 1 : i32
        %add3A_54 = arith.addi %add3A_15, %add3A_53 : i32
        %mul3A_55 = arith.constant 8 : i32
        %mul3A_56 = arith.muli %add3A_54, %mul3A_55 : i32
        %dma_start3A_57 = tpu.memref_slice %arg5[%mul3A_56] : memref<272xi32, #tpu.memory_space<vmem>> -> memref<8xi32, #tpu.memory_space<vmem>>
        %dma_start3A_58 = arith.constant 0 : i32
        %dma_start3A_59 = arith.constant 0 : i32
        %dma_start3A_60 = tpu.memref_slice %arg2[%dma_start3A_58, %dma_start3A_59] : memref<8192x2048xi32, #tpu.memory_space<hbm>> -> memref<8192x2048xi32, #tpu.memory_space<hbm>>
        tpu.enqueue_indirect_dma source(%dma_start3A_60 : memref<8192x2048xi32, #tpu.memory_space<hbm>>) target(%arg7 : memref<8x2048xi32, #tpu.memory_space<vmem>>) offsets(%dma_start3A_57 : memref<8xi32, #tpu.memory_space<vmem>>) semaphore(%arg9 : memref<!tpu.dma_semaphore, #tpu.memory_space<semaphore_mem>>)
      } else {
      }
      %mul3A_20 = arith.constant 8 : i32
      %mul3A_21 = arith.muli %add3A_15, %mul3A_20 : i32
      %dma_wait3A = tpu.memref_slice %arg5[%mul3A_21] : memref<272xi32, #tpu.memory_space<vmem>> -> memref<8xi32, #tpu.memory_space<vmem>>
      %dma_wait3A_22 = arith.constant 0 : i32
      %dma_wait3A_23 = arith.constant 0 : i32
      %dma_wait3A_24 = tpu.memref_slice %arg2[%dma_wait3A_22, %dma_wait3A_23] : memref<8192x2048xi32, #tpu.memory_space<hbm>> -> memref<8192x2048xi32, #tpu.memory_space<hbm>>
      tpu.wait_indirect_dma semaphore(%arg8 : memref<!tpu.dma_semaphore, #tpu.memory_space<semaphore_mem>>) src(%dma_wait3A_24 : memref<8192x2048xi32, #tpu.memory_space<hbm>>) dst(%arg6 : memref<8x2048xi32, #tpu.memory_space<vmem>>)
      %mul3A_25 = arith.constant 8 : i32
      %mul3A_26 = arith.muli %add3A_15, %mul3A_25 : i32
      %add3A_27 = arith.addi %mul3A_2, %mul3A_26 : i32
      %dma_start3A_28 = arith.constant 0 : i32
      %dma_start3A_29 = tpu.memref_slice %arg4[%add3A_27, %dma_start3A_28] : memref<8704x2048xi32, #tpu.memory_space<hbm>> -> memref<8x2048xi32, #tpu.memory_space<hbm>>
      %dma_start3A_30 = arith.constant 0 : i32
      %dma_start3A_31 = tpu.memref_slice %arg4[%add3A_27, %dma_start3A_30] : memref<8704x2048xi32, #tpu.memory_space<hbm>> -> memref<8x2048xi32, #tpu.memory_space<hbm>>
      tpu.enqueue_dma source(%arg6 : memref<8x2048xi32, #tpu.memory_space<vmem>>) target(%dma_start3A_31 : memref<8x2048xi32, #tpu.memory_space<hbm>>) target_semaphore(%arg10 : memref<!tpu.dma_semaphore, #tpu.memory_space<semaphore_mem>>)
      %mul3A_32 = arith.constant 8 : i32
      %mul3A_33 = arith.muli %add3A_15, %mul3A_32 : i32
      %add3A_34 = arith.addi %mul3A_2, %mul3A_33 : i32
      %dma_wait3A_35 = arith.constant 0 : i32
      %dma_wait3A_36 = tpu.memref_slice %arg4[%add3A_34, %dma_wait3A_35] : memref<8704x2048xi32, #tpu.memory_space<hbm>> -> memref<8x2048xi32, #tpu.memory_space<hbm>>
      %dma_wait3A_37 = arith.constant 0 : i32
      %dma_wait3A_38 = tpu.memref_slice %arg4[%add3A_34, %dma_wait3A_37] : memref<8704x2048xi32, #tpu.memory_space<hbm>> -> memref<8x2048xi32, #tpu.memory_space<hbm>>
      tpu.wait_dma2 semaphore(%arg10 : memref<!tpu.dma_semaphore, #tpu.memory_space<semaphore_mem>>) src(%arg6 : memref<8x2048xi32, #tpu.memory_space<vmem>>) dst(%dma_wait3A_38 : memref<8x2048xi32, #tpu.memory_space<hbm>>)
      %add3A_39 = arith.constant 2 : i32
      %add3A_40 = arith.addi %add3A_15, %add3A_39 : i32
      %lt3A_41 = arith.constant 34 : i32
      %lt3A_42 = arith.cmpi slt, %add3A_40, %lt3A_41 : i32
      %convert_element_type3A_43 = arith.extui %lt3A_42 : i1 to i32
      %cond3A_44 = arith.constant 0 : i32
      %cond3A_45 = arith.cmpi ne, %convert_element_type3A_43, %cond3A_44 : i32
      scf.if %cond3A_45 {
        %add3A_53 = arith.constant 2 : i32
        %add3A_54 = arith.addi %add3A_15, %add3A_53 : i32
        %mul3A_55 = arith.constant 8 : i32
        %mul3A_56 = arith.muli %add3A_54, %mul3A_55 : i32
        %dma_start3A_57 = tpu.memref_slice %arg5[%mul3A_56] : memref<272xi32, #tpu.memory_space<vmem>> -> memref<8xi32, #tpu.memory_space<vmem>>
        %dma_start3A_58 = arith.constant 0 : i32
        %dma_start3A_59 = arith.constant 0 : i32
        %dma_start3A_60 = tpu.memref_slice %arg2[%dma_start3A_58, %dma_start3A_59] : memref<8192x2048xi32, #tpu.memory_space<hbm>> -> memref<8192x2048xi32, #tpu.memory_space<hbm>>
        tpu.enqueue_indirect_dma source(%dma_start3A_60 : memref<8192x2048xi32, #tpu.memory_space<hbm>>) target(%arg6 : memref<8x2048xi32, #tpu.memory_space<vmem>>) offsets(%dma_start3A_57 : memref<8xi32, #tpu.memory_space<vmem>>) semaphore(%arg8 : memref<!tpu.dma_semaphore, #tpu.memory_space<semaphore_mem>>)
      } else {
      }
      %add3A_46 = arith.constant 1 : i32
      %add3A_47 = arith.addi %add3A_15, %add3A_46 : i32
      %lt3A_48 = arith.constant 34 : i32
      %lt3A_49 = arith.cmpi slt, %add3A_47, %lt3A_48 : i32
      %convert_element_type3A_50 = arith.extui %lt3A_49 : i1 to i32
      %cond3A_51 = arith.constant 0 : i32
      %cond3A_52 = arith.cmpi ne, %convert_element_type3A_50, %cond3A_51 : i32
      scf.if %cond3A_52 {
        %add3A_53 = arith.constant 1 : i32
        %add3A_54 = arith.addi %add3A_15, %add3A_53 : i32
        %mul3A_55 = arith.constant 8 : i32
        %mul3A_56 = arith.muli %add3A_54, %mul3A_55 : i32
        %dma_wait3A_57 = tpu.memref_slice %arg5[%mul3A_56] : memref<272xi32, #tpu.memory_space<vmem>> -> memref<8xi32, #tpu.memory_space<vmem>>
        %dma_wait3A_58 = arith.constant 0 : i32
        %dma_wait3A_59 = arith.constant 0 : i32
        %dma_wait3A_60 = tpu.memref_slice %arg2[%dma_wait3A_58, %dma_wait3A_59] : memref<8192x2048xi32, #tpu.memory_space<hbm>> -> memref<8192x2048xi32, #tpu.memory_space<hbm>>
        tpu.wait_indirect_dma semaphore(%arg9 : memref<!tpu.dma_semaphore, #tpu.memory_space<semaphore_mem>>) src(%dma_wait3A_60 : memref<8192x2048xi32, #tpu.memory_space<hbm>>) dst(%arg7 : memref<8x2048xi32, #tpu.memory_space<vmem>>)
        %mul3A_61 = arith.constant 8 : i32
        %mul3A_62 = arith.muli %add3A_54, %mul3A_61 : i32
        %add3A_63 = arith.addi %mul3A_2, %mul3A_62 : i32
        %dma_start3A_64 = arith.constant 0 : i32
        %dma_start3A_65 = tpu.memref_slice %arg4[%add3A_63, %dma_start3A_64] : memref<8704x2048xi32, #tpu.memory_space<hbm>> -> memref<8x2048xi32, #tpu.memory_space<hbm>>
        %dma_start3A_66 = arith.constant 0 : i32
        %dma_start3A_67 = tpu.memref_slice %arg4[%add3A_63, %dma_start3A_66] : memref<8704x2048xi32, #tpu.memory_space<hbm>> -> memref<8x2048xi32, #tpu.memory_space<hbm>>
        tpu.enqueue_dma source(%arg7 : memref<8x2048xi32, #tpu.memory_space<vmem>>) target(%dma_start3A_67 : memref<8x2048xi32, #tpu.memory_space<hbm>>) target_semaphore(%arg10 : memref<!tpu.dma_semaphore, #tpu.memory_space<semaphore_mem>>)
        %mul3A_68 = arith.constant 8 : i32
        %mul3A_69 = arith.muli %add3A_54, %mul3A_68 : i32
        %add3A_70 = arith.addi %mul3A_2, %mul3A_69 : i32
        %dma_wait3A_71 = arith.constant 0 : i32
        %dma_wait3A_72 = tpu.memref_slice %arg4[%add3A_70, %dma_wait3A_71] : memref<8704x2048xi32, #tpu.memory_space<hbm>> -> memref<8x2048xi32, #tpu.memory_space<hbm>>
        %dma_wait3A_73 = arith.constant 0 : i32
        %dma_wait3A_74 = tpu.memref_slice %arg4[%add3A_70, %dma_wait3A_73] : memref<8704x2048xi32, #tpu.memory_space<hbm>> -> memref<8x2048xi32, #tpu.memory_space<hbm>>
        tpu.wait_dma2 semaphore(%arg10 : memref<!tpu.dma_semaphore, #tpu.memory_space<semaphore_mem>>) src(%arg7 : memref<8x2048xi32, #tpu.memory_space<vmem>>) dst(%dma_wait3A_74 : memref<8x2048xi32, #tpu.memory_space<hbm>>)
      } else {
      }
    }
    %scan3A_10 = arith.constant 17 : i32
    return
  }
}

#map = affine_map<(d0, d1) -> (0, 0)>
#map1 = affine_map<(d0, d1) -> (0)>
module attributes {stable_mosaic.version = 14 : i64} {
  func.func @gather_kernel(%arg0: i32, %arg1: i32, %arg2: memref<8704x4096xf32, #tpu.memory_space<hbm>>, %arg3: memref<8192xi32, #tpu.memory_space<hbm>>, %arg4: memref<8192x4096xf32, #tpu.memory_space<hbm>>, %arg5: memref<256xi32, #tpu.memory_space<vmem>>, %arg6: memref<8x4096xf32, #tpu.memory_space<vmem>>, %arg7: memref<8x4096xf32, #tpu.memory_space<vmem>>, %arg8: memref<!tpu.dma_semaphore, #tpu.memory_space<semaphore_mem>>, %arg9: memref<!tpu.dma_semaphore, #tpu.memory_space<semaphore_mem>>, %arg10: memref<!tpu.dma_semaphore, #tpu.memory_space<semaphore_mem>>) attributes {dimension_semantics = [#tpu.dimension_semantics<core_parallel>, #tpu.dimension_semantics<subcore_parallel>], iteration_bounds = array<i64: 2, 16>, scalar_prefetch = 0 : i64, scratch_operands = 6 : i64, tpu.core_type = #tpu.core_type<sc_vector_subcore>, window_params = [{transform_indices = #map}, {transform_indices = #map1}, {transform_indices = #map}]} {
    %mul3A = arith.constant 2 : i32
    %mul3A_0 = arith.muli %arg1, %mul3A : i32
    %add3A = arith.addi %mul3A_0, %arg0 : i32
    %mul3A_1 = arith.constant 256 : i32
    %mul3A_2 = arith.muli %add3A, %mul3A_1 : i32
    "tpu.region"() ({
      %run_scoped3A = tpu.sem_alloc : memref<!tpu.dma_semaphore, #tpu.memory_space<semaphore_mem>>
      %dma_start3A_11 = tpu.memref_slice %arg3[%mul3A_2] : memref<8192xi32, #tpu.memory_space<hbm>> -> memref<256xi32, #tpu.memory_space<hbm>>
      %dma_start3A_12 = tpu.memref_slice %arg3[%mul3A_2] : memref<8192xi32, #tpu.memory_space<hbm>> -> memref<256xi32, #tpu.memory_space<hbm>>
      tpu.enqueue_dma source(%dma_start3A_12 : memref<256xi32, #tpu.memory_space<hbm>>) target(%arg5 : memref<256xi32, #tpu.memory_space<vmem>>) target_semaphore(%run_scoped3A : memref<!tpu.dma_semaphore, #tpu.memory_space<semaphore_mem>>)
      %dma_wait3A = tpu.memref_slice %arg3[%mul3A_2] : memref<8192xi32, #tpu.memory_space<hbm>> -> memref<256xi32, #tpu.memory_space<hbm>>
      %dma_wait3A_13 = tpu.memref_slice %arg3[%mul3A_2] : memref<8192xi32, #tpu.memory_space<hbm>> -> memref<256xi32, #tpu.memory_space<hbm>>
      tpu.wait_dma2 semaphore(%run_scoped3A : memref<!tpu.dma_semaphore, #tpu.memory_space<semaphore_mem>>) src(%dma_wait3A_13 : memref<256xi32, #tpu.memory_space<hbm>>) dst(%arg5 : memref<256xi32, #tpu.memory_space<vmem>>)
      tpu.yield
    }) : () -> ()
    %dma_start3A = arith.constant 0 : i32
    %dma_start3A_3 = tpu.memref_slice %arg5[%dma_start3A] : memref<256xi32, #tpu.memory_space<vmem>> -> memref<8xi32, #tpu.memory_space<vmem>>
    %dma_start3A_4 = arith.constant 0 : i32
    %dma_start3A_5 = arith.constant 0 : i32
    %dma_start3A_6 = tpu.memref_slice %arg2[%dma_start3A_4, %dma_start3A_5] : memref<8704x4096xf32, #tpu.memory_space<hbm>> -> memref<8704x4096xf32, #tpu.memory_space<hbm>>
    tpu.enqueue_indirect_dma source(%dma_start3A_6 : memref<8704x4096xf32, #tpu.memory_space<hbm>>) target(%arg6 : memref<8x4096xf32, #tpu.memory_space<vmem>>) offsets(%dma_start3A_3 : memref<8xi32, #tpu.memory_space<vmem>>) semaphore(%arg8 : memref<!tpu.dma_semaphore, #tpu.memory_space<semaphore_mem>>)
    %scan3A = arith.constant 0 : i32
    %scan3A_7 = arith.constant 16 : i32
    %scan3A_8 = arith.addi %scan3A, %scan3A_7 : i32
    %scan3A_9 = arith.constant 1 : i32
    scf.for %scan3A_11 = %scan3A to %scan3A_8 step %scan3A_9  : i32 {
      %mul3A_12 = arith.constant 2 : i32
      %mul3A_13 = arith.muli %scan3A_11, %mul3A_12 : i32
      %add3A_14 = arith.constant 0 : i32
      %add3A_15 = arith.addi %add3A_14, %mul3A_13 : i32
      %add3A_16 = arith.constant 1 : i32
      %add3A_17 = arith.addi %add3A_15, %add3A_16 : i32
      %lt3A = arith.constant 32 : i32
      %lt3A_18 = arith.cmpi slt, %add3A_17, %lt3A : i32
      %convert_element_type3A = arith.extui %lt3A_18 : i1 to i32
      %cond3A = arith.constant 0 : i32
      %cond3A_19 = arith.cmpi ne, %convert_element_type3A, %cond3A : i32
      scf.if %cond3A_19 {
        %add3A_53 = arith.constant 1 : i32
        %add3A_54 = arith.addi %add3A_15, %add3A_53 : i32
        %mul3A_55 = arith.constant 8 : i32
        %mul3A_56 = arith.muli %add3A_54, %mul3A_55 : i32
        %dma_start3A_57 = tpu.memref_slice %arg5[%mul3A_56] : memref<256xi32, #tpu.memory_space<vmem>> -> memref<8xi32, #tpu.memory_space<vmem>>
        %dma_start3A_58 = arith.constant 0 : i32
        %dma_start3A_59 = arith.constant 0 : i32
        %dma_start3A_60 = tpu.memref_slice %arg2[%dma_start3A_58, %dma_start3A_59] : memref<8704x4096xf32, #tpu.memory_space<hbm>> -> memref<8704x4096xf32, #tpu.memory_space<hbm>>
        tpu.enqueue_indirect_dma source(%dma_start3A_60 : memref<8704x4096xf32, #tpu.memory_space<hbm>>) target(%arg7 : memref<8x4096xf32, #tpu.memory_space<vmem>>) offsets(%dma_start3A_57 : memref<8xi32, #tpu.memory_space<vmem>>) semaphore(%arg9 : memref<!tpu.dma_semaphore, #tpu.memory_space<semaphore_mem>>)
      } else {
      }
      %mul3A_20 = arith.constant 8 : i32
      %mul3A_21 = arith.muli %add3A_15, %mul3A_20 : i32
      %dma_wait3A = tpu.memref_slice %arg5[%mul3A_21] : memref<256xi32, #tpu.memory_space<vmem>> -> memref<8xi32, #tpu.memory_space<vmem>>
      %dma_wait3A_22 = arith.constant 0 : i32
      %dma_wait3A_23 = arith.constant 0 : i32
      %dma_wait3A_24 = tpu.memref_slice %arg2[%dma_wait3A_22, %dma_wait3A_23] : memref<8704x4096xf32, #tpu.memory_space<hbm>> -> memref<8704x4096xf32, #tpu.memory_space<hbm>>
      tpu.wait_indirect_dma semaphore(%arg8 : memref<!tpu.dma_semaphore, #tpu.memory_space<semaphore_mem>>) src(%dma_wait3A_24 : memref<8704x4096xf32, #tpu.memory_space<hbm>>) dst(%arg6 : memref<8x4096xf32, #tpu.memory_space<vmem>>)
      %mul3A_25 = arith.constant 8 : i32
      %mul3A_26 = arith.muli %add3A_15, %mul3A_25 : i32
      %add3A_27 = arith.addi %mul3A_2, %mul3A_26 : i32
      %dma_start3A_28 = arith.constant 0 : i32
      %dma_start3A_29 = tpu.memref_slice %arg4[%add3A_27, %dma_start3A_28] : memref<8192x4096xf32, #tpu.memory_space<hbm>> -> memref<8x4096xf32, #tpu.memory_space<hbm>>
      %dma_start3A_30 = arith.constant 0 : i32
      %dma_start3A_31 = tpu.memref_slice %arg4[%add3A_27, %dma_start3A_30] : memref<8192x4096xf32, #tpu.memory_space<hbm>> -> memref<8x4096xf32, #tpu.memory_space<hbm>>
      tpu.enqueue_dma source(%arg6 : memref<8x4096xf32, #tpu.memory_space<vmem>>) target(%dma_start3A_31 : memref<8x4096xf32, #tpu.memory_space<hbm>>) target_semaphore(%arg10 : memref<!tpu.dma_semaphore, #tpu.memory_space<semaphore_mem>>)
      %mul3A_32 = arith.constant 8 : i32
      %mul3A_33 = arith.muli %add3A_15, %mul3A_32 : i32
      %add3A_34 = arith.addi %mul3A_2, %mul3A_33 : i32
      %dma_wait3A_35 = arith.constant 0 : i32
      %dma_wait3A_36 = tpu.memref_slice %arg4[%add3A_34, %dma_wait3A_35] : memref<8192x4096xf32, #tpu.memory_space<hbm>> -> memref<8x4096xf32, #tpu.memory_space<hbm>>
      %dma_wait3A_37 = arith.constant 0 : i32
      %dma_wait3A_38 = tpu.memref_slice %arg4[%add3A_34, %dma_wait3A_37] : memref<8192x4096xf32, #tpu.memory_space<hbm>> -> memref<8x4096xf32, #tpu.memory_space<hbm>>
      tpu.wait_dma2 semaphore(%arg10 : memref<!tpu.dma_semaphore, #tpu.memory_space<semaphore_mem>>) src(%arg6 : memref<8x4096xf32, #tpu.memory_space<vmem>>) dst(%dma_wait3A_38 : memref<8x4096xf32, #tpu.memory_space<hbm>>)
      %add3A_39 = arith.constant 2 : i32
      %add3A_40 = arith.addi %add3A_15, %add3A_39 : i32
      %lt3A_41 = arith.constant 32 : i32
      %lt3A_42 = arith.cmpi slt, %add3A_40, %lt3A_41 : i32
      %convert_element_type3A_43 = arith.extui %lt3A_42 : i1 to i32
      %cond3A_44 = arith.constant 0 : i32
      %cond3A_45 = arith.cmpi ne, %convert_element_type3A_43, %cond3A_44 : i32
      scf.if %cond3A_45 {
        %add3A_53 = arith.constant 2 : i32
        %add3A_54 = arith.addi %add3A_15, %add3A_53 : i32
        %mul3A_55 = arith.constant 8 : i32
        %mul3A_56 = arith.muli %add3A_54, %mul3A_55 : i32
        %dma_start3A_57 = tpu.memref_slice %arg5[%mul3A_56] : memref<256xi32, #tpu.memory_space<vmem>> -> memref<8xi32, #tpu.memory_space<vmem>>
        %dma_start3A_58 = arith.constant 0 : i32
        %dma_start3A_59 = arith.constant 0 : i32
        %dma_start3A_60 = tpu.memref_slice %arg2[%dma_start3A_58, %dma_start3A_59] : memref<8704x4096xf32, #tpu.memory_space<hbm>> -> memref<8704x4096xf32, #tpu.memory_space<hbm>>
        tpu.enqueue_indirect_dma source(%dma_start3A_60 : memref<8704x4096xf32, #tpu.memory_space<hbm>>) target(%arg6 : memref<8x4096xf32, #tpu.memory_space<vmem>>) offsets(%dma_start3A_57 : memref<8xi32, #tpu.memory_space<vmem>>) semaphore(%arg8 : memref<!tpu.dma_semaphore, #tpu.memory_space<semaphore_mem>>)
      } else {
      }
      %add3A_46 = arith.constant 1 : i32
      %add3A_47 = arith.addi %add3A_15, %add3A_46 : i32
      %lt3A_48 = arith.constant 32 : i32
      %lt3A_49 = arith.cmpi slt, %add3A_47, %lt3A_48 : i32
      %convert_element_type3A_50 = arith.extui %lt3A_49 : i1 to i32
      %cond3A_51 = arith.constant 0 : i32
      %cond3A_52 = arith.cmpi ne, %convert_element_type3A_50, %cond3A_51 : i32
      scf.if %cond3A_52 {
        %add3A_53 = arith.constant 1 : i32
        %add3A_54 = arith.addi %add3A_15, %add3A_53 : i32
        %mul3A_55 = arith.constant 8 : i32
        %mul3A_56 = arith.muli %add3A_54, %mul3A_55 : i32
        %dma_wait3A_57 = tpu.memref_slice %arg5[%mul3A_56] : memref<256xi32, #tpu.memory_space<vmem>> -> memref<8xi32, #tpu.memory_space<vmem>>
        %dma_wait3A_58 = arith.constant 0 : i32
        %dma_wait3A_59 = arith.constant 0 : i32
        %dma_wait3A_60 = tpu.memref_slice %arg2[%dma_wait3A_58, %dma_wait3A_59] : memref<8704x4096xf32, #tpu.memory_space<hbm>> -> memref<8704x4096xf32, #tpu.memory_space<hbm>>
        tpu.wait_indirect_dma semaphore(%arg9 : memref<!tpu.dma_semaphore, #tpu.memory_space<semaphore_mem>>) src(%dma_wait3A_60 : memref<8704x4096xf32, #tpu.memory_space<hbm>>) dst(%arg7 : memref<8x4096xf32, #tpu.memory_space<vmem>>)
        %mul3A_61 = arith.constant 8 : i32
        %mul3A_62 = arith.muli %add3A_54, %mul3A_61 : i32
        %add3A_63 = arith.addi %mul3A_2, %mul3A_62 : i32
        %dma_start3A_64 = arith.constant 0 : i32
        %dma_start3A_65 = tpu.memref_slice %arg4[%add3A_63, %dma_start3A_64] : memref<8192x4096xf32, #tpu.memory_space<hbm>> -> memref<8x4096xf32, #tpu.memory_space<hbm>>
        %dma_start3A_66 = arith.constant 0 : i32
        %dma_start3A_67 = tpu.memref_slice %arg4[%add3A_63, %dma_start3A_66] : memref<8192x4096xf32, #tpu.memory_space<hbm>> -> memref<8x4096xf32, #tpu.memory_space<hbm>>
        tpu.enqueue_dma source(%arg7 : memref<8x4096xf32, #tpu.memory_space<vmem>>) target(%dma_start3A_67 : memref<8x4096xf32, #tpu.memory_space<hbm>>) target_semaphore(%arg10 : memref<!tpu.dma_semaphore, #tpu.memory_space<semaphore_mem>>)
        %mul3A_68 = arith.constant 8 : i32
        %mul3A_69 = arith.muli %add3A_54, %mul3A_68 : i32
        %add3A_70 = arith.addi %mul3A_2, %mul3A_69 : i32
        %dma_wait3A_71 = arith.constant 0 : i32
        %dma_wait3A_72 = tpu.memref_slice %arg4[%add3A_70, %dma_wait3A_71] : memref<8192x4096xf32, #tpu.memory_space<hbm>> -> memref<8x4096xf32, #tpu.memory_space<hbm>>
        %dma_wait3A_73 = arith.constant 0 : i32
        %dma_wait3A_74 = tpu.memref_slice %arg4[%add3A_70, %dma_wait3A_73] : memref<8192x4096xf32, #tpu.memory_space<hbm>> -> memref<8x4096xf32, #tpu.memory_space<hbm>>
        tpu.wait_dma2 semaphore(%arg10 : memref<!tpu.dma_semaphore, #tpu.memory_space<semaphore_mem>>) src(%arg7 : memref<8x4096xf32, #tpu.memory_space<vmem>>) dst(%dma_wait3A_74 : memref<8x4096xf32, #tpu.memory_space<hbm>>)
      } else {
      }
    }
    %scan3A_10 = arith.constant 16 : i32
    return
  }
}

module attributes {stable_mosaic.version = 14 : i64} {
  func.func @_gate_body(%arg0: i32, %arg1: memref<1xf32, #tpu.memory_space<smem>>, %arg2: memref<512x4096xbf16, #tpu.memory_space<vmem>>, %arg3: memref<4096x1xbf16, #tpu.memory_space<vmem>>, %arg4: memref<512x128xf32, #tpu.memory_space<vmem>>) attributes {dimension_semantics = [#tpu.dimension_semantics<arbitrary>], iteration_bounds = array<i64: 16>, scalar_prefetch = 0 : i64, scratch_operands = 0 : i64, tpu.core_type = #tpu.core_type<tc>, window_params = [{transform_indices = @transform_0, window_bounds = array<i64: 1>}, {transform_indices = @transform_1, window_bounds = array<i64: 512, 4096>}, {pipeline_mode = #tpu.pipeline_mode<synchronous>, transform_indices = @transform_2, window_bounds = array<i64: 4096, 1>}, {transform_indices = @transform_3, window_bounds = array<i64: 512, 128>}]} {
    %get3A = arith.constant 0 : index
    %get3A_0 = arith.constant 0 : index
    %get3A_1 = vector.load %arg2[%get3A, %get3A_0] : memref<512x4096xbf16, #tpu.memory_space<vmem>>, vector<512x4096xbf16>
    %get3A_2 = arith.constant 0 : index
    %get3A_3 = arith.constant 0 : index
    %get3A_4 = vector.load %arg3[%get3A_2, %get3A_3] : memref<4096x1xbf16, #tpu.memory_space<vmem>>, vector<4096x1xbf16>
    %dot_general3A = arith.constant dense<0.000000e+00> : vector<512x1xf32>
    %dot_general3A_5 = tpu.matmul %get3A_1, %get3A_4, %dot_general3A {dimension_numbers = #tpu.dot_dimension_numbers<[1], [0], [0], [1], [0, 0, 1, 1], [], []>, transpose_lhs_hint = false} : vector<512x4096xbf16>, vector<4096x1xbf16>, vector<512x1xf32> -> vector<512x1xf32>
    %get3A_6 = arith.constant 0 : index
    %get3A_7 = memref.load %arg1[%get3A_6] : memref<1xf32, #tpu.memory_space<smem>>
    %add3A = vector.broadcast %get3A_7 : f32 to vector<512x1xf32>
    %add3A_8 = arith.addf %dot_general3A_5, %add3A : vector<512x1xf32>
    %broadcast_in_dim3A = vector.shape_cast %add3A_8 : vector<512x1xf32> to vector<512x1xf32>
    %broadcast_in_dim3A_9 = vector.broadcast %broadcast_in_dim3A : vector<512x1xf32> to vector<512x128xf32>
    %swap3A = arith.constant 0 : index
    %swap3A_10 = arith.constant 0 : index
    %swap3A_11 = vector.load %arg4[%swap3A, %swap3A_10] : memref<512x128xf32, #tpu.memory_space<vmem>>, vector<512x128xf32>
    tpu.vector_store %arg4[%swap3A, %swap3A_10], %broadcast_in_dim3A_9 {strides = array<i32>} : memref<512x128xf32, #tpu.memory_space<vmem>>, vector<512x128xf32>,
    return
  }
  func.func @transform_0(%arg0: i32) -> i32 {
    %c0_i32 = arith.constant 0 : i32
    %c0_i32_0 = arith.constant 0 : i32
    return %c0_i32 : i32
  }
  func.func @transform_1(%arg0: i32) -> (i32, i32) {
    %c0_i32 = arith.constant 0 : i32
    %c0_i32_0 = arith.constant 0 : i32
    return %arg0, %c0_i32 : i32, i32
  }
  func.func @transform_2(%arg0: i32) -> (i32, i32) {
    %c0_i32 = arith.constant 0 : i32
    %c0_i32_0 = arith.constant 0 : i32
    %c0_i32_1 = arith.constant 0 : i32
    return %c0_i32, %c0_i32_0 : i32, i32
  }
  func.func @transform_3(%arg0: i32) -> (i32, i32) {
    %c0_i32 = arith.constant 0 : i32
    %c0_i32_0 = arith.constant 0 : i32
    return %arg0, %c0_i32 : i32, i32
  }
}

module attributes {stable_mosaic.version = 14 : i64} {
  func.func @_mm_body(%arg0: i32, %arg1: i32, %arg2: memref<1xi32, #tpu.memory_space<smem>>, %arg3: memref<512x4096xbf16, #tpu.memory_space<vmem>>, %arg4: memref<4096x512xbf16, #tpu.memory_space<vmem>>, %arg5: memref<8x512xf32, #tpu.memory_space<vmem>>, %arg6: memref<4096x512xbf16, #tpu.memory_space<vmem>>, %arg7: memref<8x512xf32, #tpu.memory_space<vmem>>, %arg8: memref<512x512xf32, #tpu.memory_space<vmem>>) attributes {dimension_semantics = [#tpu.dimension_semantics<arbitrary>, #tpu.dimension_semantics<arbitrary>], iteration_bounds = array<i64: 17, 8>, scalar_prefetch = 1 : i64, scratch_operands = 0 : i64, tpu.core_type = #tpu.core_type<tc>, window_params = [{transform_indices = @transform_0, window_bounds = array<i64: 512, 4096>}, {transform_indices = @transform_1, window_bounds = array<i64: 4096, 512>}, {transform_indices = @transform_2, window_bounds = array<i64: 8, 512>}, {transform_indices = @transform_3, window_bounds = array<i64: 4096, 512>}, {transform_indices = @transform_4, window_bounds = array<i64: 8, 512>}, {transform_indices = @transform_5, window_bounds = array<i64: 512, 512>}]} {
    %get3A = arith.constant 0 : index
    %get3A_0 = memref.load %arg2[%get3A] : memref<1xi32, #tpu.memory_space<smem>>
    %get3A_1 = arith.constant 0 : index
    %get3A_2 = arith.constant 0 : index
    %get3A_3 = vector.load %arg3[%get3A_1, %get3A_2] : memref<512x4096xbf16, #tpu.memory_space<vmem>>, vector<512x4096xbf16>
    %lt3A = arith.cmpi slt, %arg0, %get3A_0 : i32
    %convert_element_type3A = arith.extui %lt3A : i1 to i32
    %cond3A = arith.constant 0 : i32
    %cond3A_4 = arith.cmpi ne, %convert_element_type3A, %cond3A : i32
    scf.if %cond3A_4 {
      %get3A_8 = arith.constant 0 : index
      %get3A_9 = arith.constant 0 : index
      %get3A_10 = vector.load %arg4[%get3A_8, %get3A_9] : memref<4096x512xbf16, #tpu.memory_space<vmem>>, vector<4096x512xbf16>
      %dot_general3A = arith.constant dense<0.000000e+00> : vector<512x512xf32>
      %dot_general3A_11 = tpu.matmul %get3A_3, %get3A_10, %dot_general3A {dimension_numbers = #tpu.dot_dimension_numbers<[1], [0], [0], [1], [0, 0, 1, 1], [], []>, transpose_lhs_hint = false} : vector<512x4096xbf16>, vector<4096x512xbf16>, vector<512x512xf32> -> vector<512x512xf32>
      %get3A_12 = arith.constant 0 : index
      %get3A_13 = arith.constant 0 : index
      %get3A_14 = vector.load %arg5[%get3A_12, %get3A_13] : memref<8x512xf32, #tpu.memory_space<vmem>>, vector<1x512xf32>
      %add3A = vector.broadcast %get3A_14 : vector<1x512xf32> to vector<512x512xf32>
      %add3A_15 = arith.addf %dot_general3A_11, %add3A : vector<512x512xf32>
      %swap3A = arith.constant 0 : index
      %swap3A_16 = arith.constant 0 : index
      %swap3A_17 = vector.load %arg8[%swap3A, %swap3A_16] : memref<512x512xf32, #tpu.memory_space<vmem>>, vector<512x512xf32>
      tpu.vector_store %arg8[%swap3A, %swap3A_16], %add3A_15 {strides = array<i32>} : memref<512x512xf32, #tpu.memory_space<vmem>>, vector<512x512xf32>,
    } else {
    }
    %ge3A = arith.cmpi sge, %arg0, %get3A_0 : i32
    %convert_element_type3A_5 = arith.extui %ge3A : i1 to i32
    %cond3A_6 = arith.constant 0 : i32
    %cond3A_7 = arith.cmpi ne, %convert_element_type3A_5, %cond3A_6 : i32
    scf.if %cond3A_7 {
      %get3A_8 = arith.constant 0 : index
      %get3A_9 = arith.constant 0 : index
      %get3A_10 = vector.load %arg6[%get3A_8, %get3A_9] : memref<4096x512xbf16, #tpu.memory_space<vmem>>, vector<4096x512xbf16>
      %dot_general3A = arith.constant dense<0.000000e+00> : vector<512x512xf32>
      %dot_general3A_11 = tpu.matmul %get3A_3, %get3A_10, %dot_general3A {dimension_numbers = #tpu.dot_dimension_numbers<[1], [0], [0], [1], [0, 0, 1, 1], [], []>, transpose_lhs_hint = false} : vector<512x4096xbf16>, vector<4096x512xbf16>, vector<512x512xf32> -> vector<512x512xf32>
      %get3A_12 = arith.constant 0 : index
      %get3A_13 = arith.constant 0 : index
      %get3A_14 = vector.load %arg7[%get3A_12, %get3A_13] : memref<8x512xf32, #tpu.memory_space<vmem>>, vector<1x512xf32>
      %add3A = vector.broadcast %get3A_14 : vector<1x512xf32> to vector<512x512xf32>
      %add3A_15 = arith.addf %dot_general3A_11, %add3A : vector<512x512xf32>
      %swap3A = arith.constant 0 : index
      %swap3A_16 = arith.constant 0 : index
      %swap3A_17 = vector.load %arg8[%swap3A, %swap3A_16] : memref<512x512xf32, #tpu.memory_space<vmem>>, vector<512x512xf32>
      tpu.vector_store %arg8[%swap3A, %swap3A_16], %add3A_15 {strides = array<i32>} : memref<512x512xf32, #tpu.memory_space<vmem>>, vector<512x512xf32>,
    } else {
    }
    return
  }
  func.func @transform_0(%arg0: i32, %arg1: i32, %arg2: memref<1xi32, #tpu.memory_space<smem>>) -> (i32, i32) {
    %c0_i32 = arith.constant 0 : i32
    %c0_i32_0 = arith.constant 0 : i32
    return %arg0, %c0_i32 : i32, i32
  }
  func.func @transform_1(%arg0: i32, %arg1: i32, %arg2: memref<1xi32, #tpu.memory_space<smem>>) -> (i32, i32) {
    %get3A = arith.constant 0 : index
    %get3A_0 = memref.load %arg2[%get3A] : memref<1xi32, #tpu.memory_space<smem>>
    %lt3A = arith.cmpi slt, %arg0, %get3A_0 : i32
    %jit3A = arith.constant 0 : i32
    %select_n3A = arith.select %lt3A, %arg1, %jit3A : i32
    %c0_i32 = arith.constant 0 : i32
    %c0_i32_1 = arith.constant 0 : i32
    return %c0_i32, %select_n3A : i32, i32
  }
  func.func @transform_2(%arg0: i32, %arg1: i32, %arg2: memref<1xi32, #tpu.memory_space<smem>>) -> (i32, i32) {
    %get3A = arith.constant 0 : index
    %get3A_0 = memref.load %arg2[%get3A] : memref<1xi32, #tpu.memory_space<smem>>
    %lt3A = arith.cmpi slt, %arg0, %get3A_0 : i32
    %jit3A = arith.constant 0 : i32
    %select_n3A = arith.select %lt3A, %arg1, %jit3A : i32
    %c0_i32 = arith.constant 0 : i32
    %c0_i32_1 = arith.constant 0 : i32
    return %c0_i32, %select_n3A : i32, i32
  }
  func.func @transform_3(%arg0: i32, %arg1: i32, %arg2: memref<1xi32, #tpu.memory_space<smem>>) -> (i32, i32) {
    %get3A = arith.constant 0 : index
    %get3A_0 = memref.load %arg2[%get3A] : memref<1xi32, #tpu.memory_space<smem>>
    %lt3A = arith.cmpi slt, %arg0, %get3A_0 : i32
    %jit3A = arith.constant 0 : i32
    %select_n3A = arith.select %lt3A, %jit3A, %arg1 : i32
    %c0_i32 = arith.constant 0 : i32
    %c0_i32_1 = arith.constant 0 : i32
    return %c0_i32, %select_n3A : i32, i32
  }
  func.func @transform_4(%arg0: i32, %arg1: i32, %arg2: memref<1xi32, #tpu.memory_space<smem>>) -> (i32, i32) {
    %get3A = arith.constant 0 : index
    %get3A_0 = memref.load %arg2[%get3A] : memref<1xi32, #tpu.memory_space<smem>>
    %lt3A = arith.cmpi slt, %arg0, %get3A_0 : i32
    %jit3A = arith.constant 0 : i32
    %select_n3A = arith.select %lt3A, %jit3A, %arg1 : i32
    %c0_i32 = arith.constant 0 : i32
    %c0_i32_1 = arith.constant 0 : i32
    return %c0_i32, %select_n3A : i32, i32
  }
  func.func @transform_5(%arg0: i32, %arg1: i32, %arg2: memref<1xi32, #tpu.memory_space<smem>>) -> (i32, i32) {
    %c0_i32 = arith.constant 0 : i32
    return %arg0, %arg1 : i32, i32
  }
}

</mosaic_0001>

<sc_bundles>
// kernel: kernel.10.cloned.1.call-start
scs
__scs_entry_jumppad:
0x0: {  	(pc) =	sbr.rel $0x88, $3  }
0x1: {  	(tag) =	ssettag $0x0;
	lr =	simm.s32 $0x1  }
0x2: {  	[smem:$0x3F9A] =	sst lr;
	_ =	strace $0xD0000000  }
0x3: {  	_ = 	snop  }
0x4: {  	_ = 	snop  }
0x5: {  	_ = 	snop  }
0x6: {  	_ = 	snop  }
0x7: {  	_ = 	snop  }
__scs_overlays_trampoline_lowered:
0x8: {  	[smem:$0x3FA9] =	sst s0  }
0x9: {  	[smem:$0x3FAA] =	sst s1  }
0xa: {  	[smem:$0x3FAB] =	sst s2  }
0xb: {  	[smem:$0x3FAC] =	sst s3  }
0xc: {  	[smem:$0x3FAD] =	sst s4  }
0xd: {  	[smem:$0x3FAE] =	sst s5  }
0xe: {  	[smem:$0x3FAF] =	sst s6  }
0xf: {  	[smem:$0x3FB0] =	sst s7  }
0x10: {  	[smem:$0x3FB1] =	sst s8  }
0x11: {  	[smem:$0x3FB2] =	sst s9;
	s0 =	simm.s32 @!p0 $0x0  }
0x12: {  	s1 =	sld [smem:$0x3F98];
	s0 =	simm.s32 @p0 $0x1  }
0x13: {  	[smem:$0x3FB3] =	sst s0;
	s0 =	simm.s32 @!p1 $0x0  }
0x14: {  	s2 =	sld [smem:$0x3F97];
	s0 =	simm.s32 @p1 $0x1  }
0x15: {  	[smem:$0x3FB4] =	sst s0;
	s0 =	simm.s32 @!p2 $0x0  }
0x16: {  	s3 =	sld [smem:$0x3FDB];
	s0 =	simm.s32 @p2 $0x1  }
0x17: {  	s4 =	simm.s32 $0x1BF5;
	[smem:$0x3FB6] =	sst s0  }
0x18: {  	s0 =	sld [smem:$0x3F99];
	_ =	swait.ge [sflag:s4], $0x0  }
0x19: {  	s7 =	sld [smem:$0x3F9A]  }
0x1a: {  	s8 =	sadd.s32 $0xFFFFE003, lr  }
0x1b: {  	s9 =	sadd.s32 $0xFFFFFEF7, lr;
	s5 =	simm.s32 $0xFFFFFFFF;
	p2 =	slt.u32 s8, $0xFFFFF086  }
0x1c: {  	p1 =	slt.u32 s9, $0xF7A;
	s5 =	simm.s32 @!p2 $0x0  }
0x1d: {  	s5 =	simm.s32 @p1 $0x1;
	p0 =	seq.s32 s7, s2  }
0x1e: {  	s7 =	smul.u32 @!p0 $0xF7A, s2;
	p2 =	seq.s32 @!p0 s5, $0x0  }
0x1f: {  	s9 =	smul.u32 $0xF7A, s1;
	s8 =	simm.s32 @!p0 $0x1BF5;
	p2 =	por !p2, p0  }
0x20: {  	[sflag:s8] =	ssyncset.s32 @!p0 $0xFFFFF086;
	s6 =	sadd.s32 @!p0 s3, s7;
	s7 =	simm.s32 @!p0 $0x108  }
0x21: {  	s3 =	sadd.s32 s3, s9;
	s6 =	sadd.s32 @!p0 $0x88, s6;
	s7 =	simm.s32 @p2 $0x1082  }
0x22: {  	[simem:s7], [sflag:s8] =	dma.local @!p0 [hbm:s6], $0xF7A  }
0x23: {  	s9 =	sor.u32 $0xD0000000, s2;
	s6 =	simm.s32 $0x108;
	_ =	swait.ge @!p0 [sflag:s8], $0x0  }
0x24: {  	s3 =	sadd.s32 $0x88, s3;
	s6 =	simm.s32 @!p1 $0x1082;
	[sflag:s4] =	ssyncset.s32 $0xFFFFF086  }
0x25: {  	[simem:s6], [sflag:s4] =	dma.local [hbm:s3], $0xF7A  }
0x26: {  	[smem:$0x3F9A] =	sst s1;
	(tag) =	ssettag s2;
	_ =	strace s9  }
0x27: {  	s1 =	sld [smem:$0x3FAA]  }
0x28: {  	s2 =	sld [smem:$0x3FAB]  }
0x29: {  	s4 =	sld [smem:$0x3FAD]  }
0x2a: {  	p0 =	seq.s32 s5, $0x0;
	s5 =	sld [smem:$0x3FAE]  }
0x2b: {  	s6 =	sld [smem:$0x3FAF]  }
0x2c: {  	s7 =	sld [smem:$0x3FB0]  }
0x2d: {  	s3 =	simm.s32 $0x108;
	s8 =	sld [smem:$0x3FB1]  }
0x2e: {  	s3 =	simm.s32 @!p0 $0x1082;
	s9 =	sld [smem:$0x3FB2]  }
0x2f: {  	lr =	sadd.s32 s0, s3;
	s0 =	sld [smem:$0x3FA9]  }
0x30: {  	s3 =	sld [smem:$0x3FAC]  }
0x31: {  	[smem:$0x3FB5] =	sst s10  }
0x32: {  	s10 =	sld [smem:$0x3FB3];
	_ =	sdelay $0x3  }
0x33: {  	p0 =	seq.s32 s10, $0x1;
	s10 =	sld [smem:$0x3FB5];
	_ =	sdelay $0x3  }
0x34: {  	[smem:$0x3FB5] =	sst s10  }
0x35: {  	s10 =	sld [smem:$0x3FB4];
	_ =	sdelay $0x3  }
0x36: {  	p1 =	seq.s32 s10, $0x1;
	s10 =	sld [smem:$0x3FB5];
	_ =	sdelay $0x3  }
0x37: {  	[smem:$0x3FB5] =	sst s10  }
0x38: {  	s10 =	sld [smem:$0x3FB6]  }
0x39: {  	_ = 	snop;
	(pc) =	sbr.ind lr, $3  }
0x3a: {  	_ = 	snop  }
0x3b: {  	_ = 	snop  }
0x3c: {  	p2 =	seq.s32 s10, $0x1;
	s10 =	sld [smem:$0x3FB5]  }
0x3d: {  	_ =	shalt  }
0x3e: {  	_ =	shalt  }
0x3f: {  	_ =	shalt  }
0x40: {  	_ =	shalt  }
0x41: {  	_ =	shalt  }
0x42: {  	_ =	shalt  }
0x43: {  	_ =	shalt  }
0x44: {  	_ =	shalt  }
0x45: {  	_ =	shalt  }
0x46: {  	_ =	shalt  }
0x47: {  	_ =	shalt  }
0x48: {  	_ =	shalt  }
0x49: {  	_ =	shalt  }
0x4a: {  	_ =	shalt  }
0x4b: {  	_ =	shalt  }
0x4c: {  	_ =	shalt  }
0x4d: {  	_ =	shalt  }
0x4e: {  	_ =	shalt  }
0x4f: {  	_ =	shalt  }
0x50: {  	_ =	shalt  }
0x51: {  	_ =	shalt  }
0x52: {  	_ =	shalt  }
0x53: {  	_ =	shalt  }
0x54: {  	_ =	shalt  }
0x55: {  	_ =	shalt  }
0x56: {  	_ =	shalt  }
0x57: {  	_ =	shalt  }
0x58: {  	_ =	shalt  }
0x59: {  	_ =	shalt  }
0x5a: {  	_ =	shalt  }
0x5b: {  	_ =	shalt  }
0x5c: {  	_ =	shalt  }
0x5d: {  	_ =	shalt  }
0x5e: {  	_ =	shalt  }
0x5f: {  	_ =	shalt  }
0x60: {  	_ =	shalt  }
0x61: {  	_ =	shalt  }
0x62: {  	_ =	shalt  }
0x63: {  	_ =	shalt  }
0x64: {  	_ =	shalt  }
0x65: {  	_ =	shalt  }
0x66: {  	_ =	shalt  }
0x67: {  	_ =	shalt  }
0x68: {  	_ =	shalt  }
0x69: {  	_ =	shalt  }
0x6a: {  	_ =	shalt  }
0x6b: {  	_ =	shalt  }
0x6c: {  	_ =	shalt  }
0x6d: {  	_ =	shalt  }
0x6e: {  	_ =	shalt  }
0x6f: {  	_ =	shalt  }
0x70: {  	_ =	shalt  }
0x71: {  	_ =	shalt  }
0x72: {  	_ =	shalt  }
0x73: {  	_ =	shalt  }
0x74: {  	_ =	shalt  }
0x75: {  	_ =	shalt  }
0x76: {  	_ =	shalt  }
0x77: {  	_ =	shalt  }
0x78: {  	_ =	shalt  }
0x79: {  	_ =	shalt  }
0x7a: {  	_ =	shalt  }
0x7b: {  	_ =	shalt  }
0x7c: {  	_ =	shalt  }
0x7d: {  	_ =	shalt  }
0x7e: {  	_ =	shalt  }
0x7f: {  	_ =	shalt  }
0x80: {  	_ =	shalt  }
0x81: {  	_ =	shalt  }
0x82: {  	_ =	shalt  }
0x83: {  	_ =	shalt  }
0x84: {  	_ =	shalt  }
0x85: {  	_ =	shalt  }
0x86: {  	_ =	shalt  }
0x87: {  	_ =	shalt  }
.Lfunc_end0:
.L_simem_size_0:
called_computation.4_lowered:
.L_overlay_start_0:
0x88: {  	s2 =	sld [smem:$0x3FD9]  }
0x89: {  	s3 =	sld [smem:$0x3FFE];
	_ =	sdelay $0x1  }
0x8a: {  	s1 =	srdreg.scid  }
0x8b: {  	s0 =	sand.u32 $0x1, s1  }
0x8c: {  	s17 =	sshll.u32 s0, $0xA;
	s2 =	sadd.s32 s3, s2  }
0x8d: {  	s2 =	sadd.s32 s2, s17  }
0x8e: {  	[smem:$0x3FC1] =	sst s2  }
0x8f: {  	_ = 	snop  }
0x90: {  	s2 =	sld [smem:$0x3FD0];
	(tm) =	ssettm $0x1  }
0x91: {  	s18 =	sld [smem:$0x3FFB];
	_ =	sdelay $0x3  }
0x92: {  	_ =	strace s18  }
0x93: {  	s3 =	sld [smem:$0x3FFC];
	_ =	sdelay $0x3  }
0x94: {  	_ =	strace s3  }
0x95: {  	s3 =	sld [smem:$0x3FFD];
	_ =	sdelay $0x3  }
0x96: {  	_ =	strace s3  }
0x97: {  	_ =	strace $0x8FFFFFFF  }
0x98: {  	s19 =	sld [smem:$0x3FDB];
	_ =	sdelay $0x1  }
0x99: {  	s4 =	simm.s32 $_scs_section_size  }
0x9a: {  	s5 =	simm.s32 $_size__tile_overlayer_lowered;
	s6 =	simm.s32 $_tile_overlayer_lowered  }
0x9b: {  	s22 =	simm.s32 $0x1BFF;
	s21 =	sshll.u32 s6, $0x1;
	s3 =	sadd.s32 s4, s19  }
0x9c: {  	s7 =	simm.s32 $0x0;
	s20 =	sshll.u32 s5, $0x1;
	s5 =	sadd.s32 s21, s3  }
0x9d: {  	[timem:s7], [sflag:s22] =	dma.local [hbm:s5], s20  }
0x9e: {  	_ =	swait.ge [sflag:s22], s20  }
0x9f: {  	s4 =	ssub.s32 $0x0, s20;
	[sflag:s22] =	ssyncset.done $0x0  }
0xa0: {  	[sflag:s22] =	ssyncadd.s32 s4;
	_ =	sdelay $0x1  }
0xa1: {  	s23 =	simm.s32 $0x1B8B  }
0xa2: {  	_ =	swait.ge [sflag:s23], $0x1  }
0xa3: {  	[sflag:s23] =	ssyncset.done $0x0  }
0xa4: {  	s25 =	simm.s32 $0x1B8E;
	s24 =	sld [smem:$0x3FFE];
	[sflag:s23] =	ssyncadd.s32 $0xFFFFFFFF  }
0xa5: {  	s26 =	simm.s32 $execute0_lowered;
	[smem:$0x3FD2] =	sst s25  }
0xa6: {  	s5 =	sshll.u32 s26, $0x1;
	_ =	strace $0x8000004C;
	[dreg:$0x1] =	wrdreg $0xFFFFFFFF  }
0xa7: {  	s28 =	simm.s32 $_size_execute0_lowered;
	s3 =	sadd.s32 s3, s5;
	[dreg:$0x0] =	wrdreg $0x0  }
0xa8: {  	s5 =	sshll.u32 s28, $0x1;
	[dreg:$0x2] =	wrdreg s3  }
0xa9: {  	[dreg:$0x3] =	wrdreg s5  }
0xaa: {  	[dreg:$0x4] =	wrdreg $0xC0  }
0xab: {  	_ =	task [dreg:s7], $0x5FFFF  }
0xac: {  	[dreg:$0x1] =	wrdreg $0xFFFFFFFF  }
0xad: {  	[dreg:$0x0] =	wrdreg $0x60  }
0xae: {  	[dreg:$0x2] =	wrdreg s2  }
0xaf: {  	[dreg:$0x3] =	wrdreg s24  }
0xb0: {  	[dreg:$0x4] =	wrdreg $0x9  }
0xb1: {  	_ =	task.clear_ibuf [dreg:s7], $0x5FFFF;
	_ =	strace $0x9000004C  }
0xb2: {  	s29 =	simm.s32 $0x9;
	_ =	strace $0x8000004E  }
0xb3: {  	_ =	swait.ge [sflag:s29], $0x1  }
0xb4: {  	[sflag:s29] =	ssyncadd.s32 $0xFFFFFFFF  }
0xb5: {  	_ =	strace $0x9000004E  }
0xb6: {  	_ =	sfence  }
0xb7: {  	s30 =	sld [smem:$0x0];
	_ =	sdelay $0x2  }
0xb8: {  	s31 =	sshll.u32 s1, $0xD;
	s1 =	sshrl.u32 s1, $0x2  }
0xb9: {  	s3 =	sand.u32 $0x4000, s31;
	s1 =	sadd.s32 s1, s30  }
0xba: {  	s0 =	sor.u32 s3, s0;
	s1 =	sshll.u32 s1, $0x11  }
0xbb: {  	s0 =	sor.u32 s1, s0  }
0xbc: {  	s0 =	sadd.s32 $0x8F2B, s0  }
0xbd: {  	[sflag:s0] =	ssyncadd.remote.s32 $0x1  }
0xbe: {  	_ =	sfence.sel $0xFFFF  }
0xbf: {  	[dreg:$0x0] =	wrdreg $0xFFFFFFFF;
	(pc) =	sbr.abs _section_cstart, $3  }
0xc0: {  	[dreg:$0x1] =	wrdreg $0xFFFFFFFF  }
0xc1: {  	_ =	task.clear_ibuf [dreg:s7], $0x2FFFF;
	_ =	strace $0x9FFFFFFF  }
0xc2: {  	(tm) =	ssettm $0x7FFFFFFF  }
0xc3: {  	_ =	shalt  }
tec
execute0_lowered:
.L_overlay_start_1:
0x0: {  	(tag) =	ssettag $0x1  }
0x1: {  	s0 =	srdreg.scid  }
0x2: {  	s7 =	stileid.u32;
	s2 =	rddreg [dreg:$0x0]  }
0x3: {  	s4 =	rddreg [dreg:$0x1];
	s3 =	simm.s32 $0x0;
	s13 =	simm.s32 $0x4  }
0x4: {  	s14 =	simm.s32 $0x180;
	s17 =	simm.s32 $0x1980;
	s18 =	simm.s32 $0x2180  }
0x5: {  	s19 =	simm.s32 $0x2980;
	s20 =	simm.s32 $0x3180;
	s24 =	simm.s32 $0x4980  }
0x6: {  	s21 =	simm.s32 $0x3980;
	s25 =	simm.s32 $0x5180;
	s22 =	simm.s32 $0x4180  }
0x7: {  	s26 =	simm.s32 $0x5980;
	s28 =	simm.s32 $0x1;
	s29 =	simm.s32 $0x3  }
0x8: {  	s30 =	simm.s32 $0x2;
	s31 =	simm.s32 $0x0;
	s0 =	sand.u32 $0x1, s0  }
0x9: {  	s1 =	sshll.u32 s7, $0x1;
	[smem:$0x7FF] =	sst s3;
	s8 =	smul.u32 $0x110000, s7  }
0xa: {  	s10 =	smul.u32 $0x44, s7;
	s11 =	sadd.s32 $0x2C00, s4;
	s7 =	sadd.s32 $0x300, s2  }
0xb: {  	s1 =	sor.u32 s0, s1;
	_ =	strace $0x8000004D;
	[dreg:$0x5] =	wrdreg s24  }
0xc: {  	s5 =	ssub.s32 $0x2, s0;
	s9 =	smul.u32 $0x88000, s0;
	[dreg:$0x6] =	wrdreg s25  }
0xd: {  	s0 =	smul.u32 $0x22, s0;
	[dreg:$0x7] =	wrdreg s26;
	s24 =	simm.s32 $0x6980  }
0xe: {  	s25 =	simm.s32 $0x7180;
	s26 =	simm.s32 $0x7980;
	s6 =	sshrl.u32 s5, $0x1  }
0xf: {  	s1 =	smul.u32 $0x22, s1;
	s12 =	ssub.s32 s5, s6;
	s5 =	sadd.s32 $0x100, s2  }
0x10: {  	s6 =	sadd.s32 $0x200, s2;
	s23 =	sadd.s32 s9, s8;
	s0 =	sadd.s32 s0, s10  }
0x11: {  	s8 =	sadd.s32 $0x400, s2;
	s9 =	sadd.s32 $0x500, s2;
	s1 =	sadd.s32 s1, s4  }
0x12: {  	s0 =	sshll.u32 s0, $0xB;
	s4 =	sadd.s32 $0x2000, s1;
	s1 =	sshrl.u32 s23, $0x3  }
0x13: {  	v0 =	vlaneseq.u32;
	s10 =	sadd.s32 $0x600, s2;
	s0 =	sadd.s32 s0, s11;
	s1 =	sadd.s32 s1, s11  }
0x14: {  	v1 =	vshrl.u32 v0, $0x3;
	s12 =	smax.u32 s12, $0x1;
	s0 =	sadd.s32 $0x800, s0;
	[dreg:$0x3] =	wrdreg s1  }
0x15: {  	vm0 =	vmmov $0xffff;
	v0 =	vand.u32 $0x7, v0;
	v1 =	vmul.u32 $0x8, v1;
	s23 =	simm.s32 $0x6180;
	s11 =	sadd.s32 $0x700, s2;
	[dreg:$0x4] =	wrdreg s0  }
.LBB2_1:
0x16: {  	[tilespmem:s3], [sflag:$0x4] =	stream.linear.gather [hbm4b:s4+s3], $0x110, $0x38;
	[tilespmem:$0x8180] =	vst v63  }
0x17: {  	_ =	swait.ge [sflag:s13], $0x110  }
0x18: {  	[sflag:s13] =	ssyncset.done $0x0  }
0x19: {  	[sflag:s13] =	ssyncadd.s32 $0xFFFFFEF0  }
0x1a: {  	v2 =	vld.msk [tilespmem:$0x0], $0xff;
	_ =	sdelay $0x4  }
0x1b: {  	v3 =	vshll.u32 v2, $0x4  }
0x1c: {  	v2 =	vand.u32 $0x7, v2;
	v3 =	vand.u32 $0xFFFFFF80, v3  }
0x1d: {  	v2 =	vor.u32 v2, v3  }
0x1e: {  	v2 =	vperm.xlane v2, v0;
	_ =	sdelay $0x1  }
0x1f: {  	v2 =	vadd.s32 v1, v2;
	_ =	sdelay $0x4  }
0x20: {  	[tilespmem:s14], [sflag:$0x1] =	stream.indirect_vreg.gather [hbm4b:s2+s3], $0x80, v2, vm0, $0xb8;
	[tilespmem:$0x8180] =	vst v63  }
0x21: {  	s0 =	simm.s32 $0x980  }
0x22: {  	[tilespmem:s0], [sflag:$0x1] =	stream.indirect_vreg.gather [hbm4b:s5+s3], $0x80, v2, vm0, $0xb8;
	[tilespmem:$0x8180] =	vst v63  }
0x23: {  	s16 =	simm.s32 $0x1180  }
0x24: {  	[tilespmem:s16], [sflag:$0x1] =	stream.indirect_vreg.gather [hbm4b:s6+s3], $0x80, v2, vm0, $0xb8;
	[tilespmem:$0x8180] =	vst v63  }
0x25: {  	_ = 	snop  }
0x26: {  	[tilespmem:s17], [sflag:$0x1] =	stream.indirect_vreg.gather [hbm4b:s7+s3], $0x80, v2, vm0, $0xb8;
	[tilespmem:$0x8180] =	vst v63  }
0x27: {  	_ = 	snop  }
0x28: {  	[tilespmem:s18], [sflag:$0x1] =	stream.indirect_vreg.gather [hbm4b:s8+s3], $0x80, v2, vm0, $0xb8;
	[tilespmem:$0x8180] =	vst v63  }
0x29: {  	_ = 	snop  }
0x2a: {  	[tilespmem:s19], [sflag:$0x1] =	stream.indirect_vreg.gather [hbm4b:s9+s3], $0x80, v2, vm0, $0xb8;
	[tilespmem:$0x8180] =	vst v63  }
0x2b: {  	_ = 	snop  }
0x2c: {  	[tilespmem:s20], [sflag:$0x1] =	stream.indirect_vreg.gather [hbm4b:s10+s3], $0x80, v2, vm0, $0xb8;
	[tilespmem:$0x8180] =	vst v63  }
0x2d: {  	s1 =	simm.s32 $0x10;
	s0 =	simm.s32 $0x0  }
0x2e: {  	[tilespmem:s21], [sflag:$0x1] =	stream.indirect_vreg.gather [hbm4b:s11+s3], $0x80, v2, vm0, $0xb8;
	[tilespmem:$0x8180] =	vst v63  }
.LBB2_2:
0x2f: {  	v2 =	vld.msk [tilespmem:s1+$0xFFFFFFF8], $0xff;
	_ =	sdelay $0x4  }
0x30: {  	v3 =	vshll.u32 v2, $0x4  }
0x31: {  	v2 =	vand.u32 $0x7, v2;
	v3 =	vand.u32 $0xFFFFFF80, v3  }
0x32: {  	v2 =	vor.u32 v2, v3  }
0x33: {  	v2 =	vperm.xlane v2, v0;
	_ =	sdelay $0x1  }
0x34: {  	v2 =	vadd.s32 v1, v2;
	_ =	sdelay $0x4  }
0x35: {  	[tilespmem:s22], [sflag:$0x2] =	stream.indirect_vreg.gather [hbm4b:s2+s3], $0x80, v2, vm0, $0xb8;
	[tilespmem:$0x8180] =	vst v63  }
0x36: {  	s15 =	rddreg [dreg:$0x5]  }
0x37: {  	[tilespmem:s15], [sflag:$0x2] =	stream.indirect_vreg.gather [hbm4b:s5+s3], $0x80, v2, vm0, $0xb8;
	[tilespmem:$0x8180] =	vst v63  }
0x38: {  	s16 =	rddreg [dreg:$0x6]  }
0x39: {  	[tilespmem:s16], [sflag:$0x2] =	stream.indirect_vreg.gather [hbm4b:s6+s3], $0x80, v2, vm0, $0xb8;
	[tilespmem:$0x8180] =	vst v63  }
0x3a: {  	s15 =	rddreg [dreg:$0x7]  }
0x3b: {  	[tilespmem:s15], [sflag:$0x2] =	stream.indirect_vreg.gather [hbm4b:s7+s3], $0x80, v2, vm0, $0xb8;
	[tilespmem:$0x8180] =	vst v63  }
0x3c: {  	_ = 	snop  }
0x3d: {  	[tilespmem:s23], [sflag:$0x2] =	stream.indirect_vreg.gather [hbm4b:s8+s3], $0x80, v2, vm0, $0xb8;
	[tilespmem:$0x8180] =	vst v63  }
0x3e: {  	_ = 	snop  }
0x3f: {  	[tilespmem:s24], [sflag:$0x2] =	stream.indirect_vreg.gather [hbm4b:s9+s3], $0x80, v2, vm0, $0xb8;
	[tilespmem:$0x8180] =	vst v63  }
0x40: {  	_ = 	snop  }
0x41: {  	[tilespmem:s25], [sflag:$0x2] =	stream.indirect_vreg.gather [hbm4b:s10+s3], $0x80, v2, vm0, $0xb8;
	[tilespmem:$0x8180] =	vst v63  }
0x42: {  	_ = 	snop  }
0x43: {  	[tilespmem:s26], [sflag:$0x2] =	stream.indirect_vreg.gather [hbm4b:s11+s3], $0x80, v2, vm0, $0xb8;
	[tilespmem:$0x8180] =	vst v63  }
0x44: {  	_ =	swait.ge [sflag:s28], $0x4000  }
0x45: {  	s16 =	rddreg [dreg:$0x3];
	[sflag:s28] =	ssyncset.done $0x0  }
0x46: {  	[sflag:s28] =	ssyncadd.s32 $0xFFFFC000;
	s15 =	sadd.s32 s0, s16  }
0x47: {  	[hbm4b:s15+s3] =	stream.linear.scatter [tilespmem:s14], [sflag:$0x3], $0x4000, $0x38;
	[tilespmem:$0x8180] =	vst v63  }
0x48: {  	_ =	swait.ge [sflag:s29], $0x4000  }
0x49: {  	[sflag:s29] =	ssyncset.done $0x0  }
0x4a: {  	p0 =	seq.s32 s0, $0x10000;
	[sflag:s29] =	ssyncadd.s32 $0xFFFFC000  }
0x4b: {  	v2 =	vld.msk @!p0 [tilespmem:s1+$0x0], $0xff;
	_ =	sdelay $0x4  }
0x4c: {  	v3 =	vshll.u32 @!p0 v2, $0x4  }
0x4d: {  	v4 =	vlaneseq.u32 @!p0;
	v2 =	vand.u32 @!p0 $0x7, v2;
	v3 =	vand.u32 @!p0 $0xFFFFFF80, v3  }
0x4e: {  	v2 =	vor.u32 @!p0 v2, v3;
	v3 =	vand.u32 @!p0 $0x7, v4;
	v4 =	vshrl.u32 @!p0 v4, $0x3  }
0x4f: {  	v2 =	vperm.xlane @!p0 v2, v3;
	v3 =	vmul.u32 @!p0 $0x8, v4;
	_ =	sdelay $0x1  }
0x50: {  	v2 =	vadd.s32 @!p0 v3, v2;
	_ =	sdelay $0x3  }
0x51: {  	vm1 =	vmmov @!p0 $0xffff;
	s16 =	simm.s32 @!p0 $0x180;
	s15 =	simm.s32 @!p0 $0x0  }
0x52: {  	[tilespmem:s16], [sflag:$0x1] =	stream.indirect_vreg.gather @!p0 [hbm4b:s2+s15], $0x80, v2, vm1, $0xb8;
	[tilespmem:$0x8180] =	vst v63  }
0x53: {  	s16 =	simm.s32 @!p0 $0x980  }
0x54: {  	[tilespmem:s16], [sflag:$0x1] =	stream.indirect_vreg.gather @!p0 [hbm4b:s5+s15], $0x80, v2, vm1, $0xb8;
	[tilespmem:$0x8180] =	vst v63  }
0x55: {  	s16 =	simm.s32 @!p0 $0x1180  }
0x56: {  	[tilespmem:s16], [sflag:$0x1] =	stream.indirect_vreg.gather @!p0 [hbm4b:s6+s15], $0x80, v2, vm1, $0xb8;
	[tilespmem:$0x8180] =	vst v63  }
0x57: {  	s16 =	simm.s32 @!p0 $0x1980  }
0x58: {  	[tilespmem:s16], [sflag:$0x1] =	stream.indirect_vreg.gather @!p0 [hbm4b:s7+s15], $0x80, v2, vm1, $0xb8;
	[tilespmem:$0x8180] =	vst v63  }
0x59: {  	s16 =	simm.s32 @!p0 $0x2180  }
0x5a: {  	[tilespmem:s16], [sflag:$0x1] =	stream.indirect_vreg.gather @!p0 [hbm4b:s8+s15], $0x80, v2, vm1, $0xb8;
	[tilespmem:$0x8180] =	vst v63  }
0x5b: {  	s16 =	simm.s32 @!p0 $0x2980  }
0x5c: {  	[tilespmem:s16], [sflag:$0x1] =	stream.indirect_vreg.gather @!p0 [hbm4b:s9+s15], $0x80, v2, vm1, $0xb8;
	[tilespmem:$0x8180] =	vst v63  }
0x5d: {  	s16 =	simm.s32 @!p0 $0x3180  }
0x5e: {  	[tilespmem:s16], [sflag:$0x1] =	stream.indirect_vreg.gather @!p0 [hbm4b:s10+s15], $0x80, v2, vm1, $0xb8;
	[tilespmem:$0x8180] =	vst v63  }
0x5f: {  	s16 =	simm.s32 @!p0 $0x3980  }
0x60: {  	[tilespmem:s16], [sflag:$0x1] =	stream.indirect_vreg.gather @!p0 [hbm4b:s11+s15], $0x80, v2, vm1, $0xb8;
	[tilespmem:$0x8180] =	vst v63  }
0x61: {  	_ =	swait.ge [sflag:s30], $0x4000  }
0x62: {  	s16 =	rddreg [dreg:$0x4]  }
0x63: {  	s15 =	sadd.s32 s0, s16;
	s0 =	sadd.s32 $0x1000, s0  }
0x64: {  	[sflag:s30] =	ssyncset.done $0x0;
	p0 =	sne.s32 s0, $0x11000  }
.Ltmp0:
0x65: {  	[sflag:s30] =	ssyncadd.s32 $0xFFFFC000;
	(pc) =	sbr.rel @p0 .LBB2_2-.Ltmp0, $4  }
0x66: {  	[hbm4b:s15+s3] =	stream.linear.scatter [tilespmem:s22], [sflag:$0x3], $0x4000, $0x38;
	[tilespmem:$0x8180] =	vst v63  }
0x67: {  	_ =	swait.ge [sflag:s29], $0x4000  }
0x68: {  	[sflag:s29] =	ssyncset.done $0x0  }
0x69: {  	s1 =	sadd.s32 $0x10, s1;
	[sflag:s29] =	ssyncadd.s32 $0xFFFFC000  }
0x6a: {  	s31 =	sadd.s32 $0x1, s31  }
0x6b: {  	p0 =	sne.s32 s31, s12  }
.Ltmp1:
0x6c: {  	_ = 	snop;
	(pc) =	sbr.rel @p0 .LBB2_1-.Ltmp1, $1  }
0x6d: {  	_ =	sdelay $0x3  }
0x6e: {  	_ =	sfence.sel $0x180000  }
0x6f: {  	[bflag:$0x0] =	sbarrier.arrive $0xFFFF  }
0x70: {  	_ =	strace $0x9000004D  }
0x71: {  	s0 =	stileid.u32;
	[bflag:$0x2] =	sbarrier.arrive $0xFFFF  }
0x72: {  	p0 =	sne.s32 s0, $0x0;
	s0 =	rddreg [dreg:$0x2]  }
0x73: {  	s0 =	sadd.s32 @!p0 $0x100000, s0  }
0x74: {  	[sflag:s0] =	ssyncadd.tile.s32 @!p0 $0x1;
	_ =	shalt  }
.Lfunc_end2:
_tile_overlayer_lowered:
.L_overlay_start_2:
0x75: {  	(tag) =	ssettag $0x2  }
0x76: {  	s0 =	rddreg [dreg:$0x0];
	s2 =	stileid.u32  }
0x77: {  	s1 =	rddreg [dreg:$0x1];
	p0 =	sne.s32 s2, $0x0  }
0x78: {  	s3 =	rddreg [dreg:$0x2];
	[bflag:$0x3] =	sbarrier.arrive $0xFFFF;
	s2 =	simm.s32 @!p0 $0x1C04  }
0x79: {  	[timem:s3], [sflag:s2] =	dma.local @!p0 [hbm:s0], s1  }
0x7a: {  	s0 =	simm.s32 @!p0 $0x4  }
0x7b: {  	_ =	swait.ge @!p0 [sflag:s0], s1  }
0x7c: {  	s1 =	ssub.s32 @!p0 $0x0, s1;
	[sflag:s0] =	ssyncset.done @!p0 $0x0  }
0x7d: {  	[sflag:s0] =	ssyncadd.s32 @!p0 s1  }
0x7e: {  	[bflag:$0x3] =	sbarrier.arrive $0xFFFF  }
0x7f: {  	_ =	shalt  }

// kernel: kernel.13.cloned.1.call-start
scs
__scs_entry_jumppad:
0x0: {  	(pc) =	sbr.rel $0x88, $3  }
0x1: {  	(tag) =	ssettag $0x0;
	lr =	simm.s32 $0x1  }
0x2: {  	[smem:$0x3F9A] =	sst lr;
	_ =	strace $0xD0000000  }
0x3: {  	_ = 	snop  }
0x4: {  	_ = 	snop  }
0x5: {  	_ = 	snop  }
0x6: {  	_ = 	snop  }
0x7: {  	_ = 	snop  }
__scs_overlays_trampoline_lowered:
0x8: {  	[smem:$0x3FA9] =	sst s0  }
0x9: {  	[smem:$0x3FAA] =	sst s1  }
0xa: {  	[smem:$0x3FAB] =	sst s2  }
0xb: {  	[smem:$0x3FAC] =	sst s3  }
0xc: {  	[smem:$0x3FAD] =	sst s4  }
0xd: {  	[smem:$0x3FAE] =	sst s5  }
0xe: {  	[smem:$0x3FAF] =	sst s6  }
0xf: {  	[smem:$0x3FB0] =	sst s7  }
0x10: {  	[smem:$0x3FB1] =	sst s8  }
0x11: {  	[smem:$0x3FB2] =	sst s9;
	s0 =	simm.s32 @!p0 $0x0  }
0x12: {  	s1 =	sld [smem:$0x3F98];
	s0 =	simm.s32 @p0 $0x1  }
0x13: {  	[smem:$0x3FB3] =	sst s0;
	s0 =	simm.s32 @!p1 $0x0  }
0x14: {  	s2 =	sld [smem:$0x3F97];
	s0 =	simm.s32 @p1 $0x1  }
0x15: {  	[smem:$0x3FB4] =	sst s0;
	s0 =	simm.s32 @!p2 $0x0  }
0x16: {  	s3 =	sld [smem:$0x3FDB];
	s0 =	simm.s32 @p2 $0x1  }
0x17: {  	s4 =	simm.s32 $0x1BF5;
	[smem:$0x3FB6] =	sst s0  }
0x18: {  	s0 =	sld [smem:$0x3F99];
	_ =	swait.ge [sflag:s4], $0x0  }
0x19: {  	s7 =	sld [smem:$0x3F9A]  }
0x1a: {  	s8 =	sadd.s32 $0xFFFFE003, lr  }
0x1b: {  	s9 =	sadd.s32 $0xFFFFFEF7, lr;
	s5 =	simm.s32 $0xFFFFFFFF;
	p2 =	slt.u32 s8, $0xFFFFF086  }
0x1c: {  	p1 =	slt.u32 s9, $0xF7A;
	s5 =	simm.s32 @!p2 $0x0  }
0x1d: {  	s5 =	simm.s32 @p1 $0x1;
	p0 =	seq.s32 s7, s2  }
0x1e: {  	s7 =	smul.u32 @!p0 $0xF7A, s2;
	p2 =	seq.s32 @!p0 s5, $0x0  }
0x1f: {  	s9 =	smul.u32 $0xF7A, s1;
	s8 =	simm.s32 @!p0 $0x1BF5;
	p2 =	por !p2, p0  }
0x20: {  	[sflag:s8] =	ssyncset.s32 @!p0 $0xFFFFF086;
	s6 =	sadd.s32 @!p0 s3, s7;
	s7 =	simm.s32 @!p0 $0x108  }
0x21: {  	s3 =	sadd.s32 s3, s9;
	s6 =	sadd.s32 @!p0 $0x88, s6;
	s7 =	simm.s32 @p2 $0x1082  }
0x22: {  	[simem:s7], [sflag:s8] =	dma.local @!p0 [hbm:s6], $0xF7A  }
0x23: {  	s9 =	sor.u32 $0xD0000000, s2;
	s6 =	simm.s32 $0x108;
	_ =	swait.ge @!p0 [sflag:s8], $0x0  }
0x24: {  	s3 =	sadd.s32 $0x88, s3;
	s6 =	simm.s32 @!p1 $0x1082;
	[sflag:s4] =	ssyncset.s32 $0xFFFFF086  }
0x25: {  	[simem:s6], [sflag:s4] =	dma.local [hbm:s3], $0xF7A  }
0x26: {  	[smem:$0x3F9A] =	sst s1;
	(tag) =	ssettag s2;
	_ =	strace s9  }
0x27: {  	s1 =	sld [smem:$0x3FAA]  }
0x28: {  	s2 =	sld [smem:$0x3FAB]  }
0x29: {  	s4 =	sld [smem:$0x3FAD]  }
0x2a: {  	p0 =	seq.s32 s5, $0x0;
	s5 =	sld [smem:$0x3FAE]  }
0x2b: {  	s6 =	sld [smem:$0x3FAF]  }
0x2c: {  	s7 =	sld [smem:$0x3FB0]  }
0x2d: {  	s3 =	simm.s32 $0x108;
	s8 =	sld [smem:$0x3FB1]  }
0x2e: {  	s3 =	simm.s32 @!p0 $0x1082;
	s9 =	sld [smem:$0x3FB2]  }
0x2f: {  	lr =	sadd.s32 s0, s3;
	s0 =	sld [smem:$0x3FA9]  }
0x30: {  	s3 =	sld [smem:$0x3FAC]  }
0x31: {  	[smem:$0x3FB5] =	sst s10  }
0x32: {  	s10 =	sld [smem:$0x3FB3];
	_ =	sdelay $0x3  }
0x33: {  	p0 =	seq.s32 s10, $0x1;
	s10 =	sld [smem:$0x3FB5];
	_ =	sdelay $0x3  }
0x34: {  	[smem:$0x3FB5] =	sst s10  }
0x35: {  	s10 =	sld [smem:$0x3FB4];
	_ =	sdelay $0x3  }
0x36: {  	p1 =	seq.s32 s10, $0x1;
	s10 =	sld [smem:$0x3FB5];
	_ =	sdelay $0x3  }
0x37: {  	[smem:$0x3FB5] =	sst s10  }
0x38: {  	s10 =	sld [smem:$0x3FB6]  }
0x39: {  	_ = 	snop;
	(pc) =	sbr.ind lr, $3  }
0x3a: {  	_ = 	snop  }
0x3b: {  	_ = 	snop  }
0x3c: {  	p2 =	seq.s32 s10, $0x1;
	s10 =	sld [smem:$0x3FB5]  }
0x3d: {  	_ =	shalt  }
0x3e: {  	_ =	shalt  }
0x3f: {  	_ =	shalt  }
0x40: {  	_ =	shalt  }
0x41: {  	_ =	shalt  }
0x42: {  	_ =	shalt  }
0x43: {  	_ =	shalt  }
0x44: {  	_ =	shalt  }
0x45: {  	_ =	shalt  }
0x46: {  	_ =	shalt  }
0x47: {  	_ =	shalt  }
0x48: {  	_ =	shalt  }
0x49: {  	_ =	shalt  }
0x4a: {  	_ =	shalt  }
0x4b: {  	_ =	shalt  }
0x4c: {  	_ =	shalt  }
0x4d: {  	_ =	shalt  }
0x4e: {  	_ =	shalt  }
0x4f: {  	_ =	shalt  }
0x50: {  	_ =	shalt  }
0x51: {  	_ =	shalt  }
0x52: {  	_ =	shalt  }
0x53: {  	_ =	shalt  }
0x54: {  	_ =	shalt  }
0x55: {  	_ =	shalt  }
0x56: {  	_ =	shalt  }
0x57: {  	_ =	shalt  }
0x58: {  	_ =	shalt  }
0x59: {  	_ =	shalt  }
0x5a: {  	_ =	shalt  }
0x5b: {  	_ =	shalt  }
0x5c: {  	_ =	shalt  }
0x5d: {  	_ =	shalt  }
0x5e: {  	_ =	shalt  }
0x5f: {  	_ =	shalt  }
0x60: {  	_ =	shalt  }
0x61: {  	_ =	shalt  }
0x62: {  	_ =	shalt  }
0x63: {  	_ =	shalt  }
0x64: {  	_ =	shalt  }
0x65: {  	_ =	shalt  }
0x66: {  	_ =	shalt  }
0x67: {  	_ =	shalt  }
0x68: {  	_ =	shalt  }
0x69: {  	_ =	shalt  }
0x6a: {  	_ =	shalt  }
0x6b: {  	_ =	shalt  }
0x6c: {  	_ =	shalt  }
0x6d: {  	_ =	shalt  }
0x6e: {  	_ =	shalt  }
0x6f: {  	_ =	shalt  }
0x70: {  	_ =	shalt  }
0x71: {  	_ =	shalt  }
0x72: {  	_ =	shalt  }
0x73: {  	_ =	shalt  }
0x74: {  	_ =	shalt  }
0x75: {  	_ =	shalt  }
0x76: {  	_ =	shalt  }
0x77: {  	_ =	shalt  }
0x78: {  	_ =	shalt  }
0x79: {  	_ =	shalt  }
0x7a: {  	_ =	shalt  }
0x7b: {  	_ =	shalt  }
0x7c: {  	_ =	shalt  }
0x7d: {  	_ =	shalt  }
0x7e: {  	_ =	shalt  }
0x7f: {  	_ =	shalt  }
0x80: {  	_ =	shalt  }
0x81: {  	_ =	shalt  }
0x82: {  	_ =	shalt  }
0x83: {  	_ =	shalt  }
0x84: {  	_ =	shalt  }
0x85: {  	_ =	shalt  }
0x86: {  	_ =	shalt  }
0x87: {  	_ =	shalt  }
.Lfunc_end0:
.L_simem_size_0:
called_computation.5_lowered:
.L_overlay_start_0:
0x88: {  	s2 =	sld [smem:$0x3FD9]  }
0x89: {  	s3 =	sld [smem:$0x3FFE];
	_ =	sdelay $0x1  }
0x8a: {  	s1 =	srdreg.scid  }
0x8b: {  	s0 =	sand.u32 $0x1, s1  }
0x8c: {  	s17 =	sshll.u32 s0, $0xA;
	s2 =	sadd.s32 s3, s2  }
0x8d: {  	s2 =	sadd.s32 s2, s17  }
0x8e: {  	[smem:$0x3FC1] =	sst s2  }
0x8f: {  	_ = 	snop  }
0x90: {  	s2 =	sld [smem:$0x3FD0];
	(tm) =	ssettm $0x1  }
0x91: {  	s18 =	sld [smem:$0x3FFB];
	_ =	sdelay $0x3  }
0x92: {  	_ =	strace s18  }
0x93: {  	s3 =	sld [smem:$0x3FFC];
	_ =	sdelay $0x3  }
0x94: {  	_ =	strace s3  }
0x95: {  	s3 =	sld [smem:$0x3FFD];
	_ =	sdelay $0x3  }
0x96: {  	_ =	strace s3  }
0x97: {  	_ =	strace $0x8FFFFFFF  }
0x98: {  	s19 =	sld [smem:$0x3FDB];
	_ =	sdelay $0x1  }
0x99: {  	s4 =	simm.s32 $_scs_section_size  }
0x9a: {  	s5 =	simm.s32 $_size__tile_overlayer_lowered;
	s6 =	simm.s32 $_tile_overlayer_lowered  }
0x9b: {  	s22 =	simm.s32 $0x1BFF;
	s21 =	sshll.u32 s6, $0x1;
	s3 =	sadd.s32 s4, s19  }
0x9c: {  	s7 =	simm.s32 $0x0;
	s20 =	sshll.u32 s5, $0x1;
	s5 =	sadd.s32 s21, s3  }
0x9d: {  	[timem:s7], [sflag:s22] =	dma.local [hbm:s5], s20  }
0x9e: {  	_ =	swait.ge [sflag:s22], s20  }
0x9f: {  	s4 =	ssub.s32 $0x0, s20;
	[sflag:s22] =	ssyncset.done $0x0  }
0xa0: {  	[sflag:s22] =	ssyncadd.s32 s4;
	_ =	sdelay $0x1  }
0xa1: {  	s23 =	simm.s32 $0x1B8B  }
0xa2: {  	_ =	swait.ge [sflag:s23], $0x1  }
0xa3: {  	[sflag:s23] =	ssyncset.done $0x0  }
0xa4: {  	s25 =	simm.s32 $0x1B8E;
	s24 =	sld [smem:$0x3FFE];
	[sflag:s23] =	ssyncadd.s32 $0xFFFFFFFF  }
0xa5: {  	s26 =	simm.s32 $execute0_lowered;
	[smem:$0x3FD2] =	sst s25  }
0xa6: {  	s5 =	sshll.u32 s26, $0x1;
	_ =	strace $0x80000055;
	[dreg:$0x1] =	wrdreg $0xFFFFFFFF  }
0xa7: {  	s28 =	simm.s32 $_size_execute0_lowered;
	s3 =	sadd.s32 s3, s5;
	[dreg:$0x0] =	wrdreg $0x0  }
0xa8: {  	s5 =	sshll.u32 s28, $0x1;
	[dreg:$0x2] =	wrdreg s3  }
0xa9: {  	[dreg:$0x3] =	wrdreg s5  }
0xaa: {  	[dreg:$0x4] =	wrdreg $0xC0  }
0xab: {  	_ =	task [dreg:s7], $0x5FFFF  }
0xac: {  	[dreg:$0x1] =	wrdreg $0xFFFFFFFF  }
0xad: {  	[dreg:$0x0] =	wrdreg $0x60  }
0xae: {  	[dreg:$0x2] =	wrdreg s24  }
0xaf: {  	[dreg:$0x3] =	wrdreg s2  }
0xb0: {  	[dreg:$0x4] =	wrdreg $0x9  }
0xb1: {  	_ =	task.clear_ibuf [dreg:s7], $0x5FFFF;
	_ =	strace $0x90000055  }
0xb2: {  	s29 =	simm.s32 $0x9;
	_ =	strace $0x80000057  }
0xb3: {  	_ =	swait.ge [sflag:s29], $0x1  }
0xb4: {  	[sflag:s29] =	ssyncadd.s32 $0xFFFFFFFF  }
0xb5: {  	_ =	strace $0x90000057  }
0xb6: {  	_ =	sfence  }
0xb7: {  	s30 =	sld [smem:$0x0];
	_ =	sdelay $0x2  }
0xb8: {  	s31 =	sshll.u32 s1, $0xD;
	s1 =	sshrl.u32 s1, $0x2  }
0xb9: {  	s3 =	sand.u32 $0x4000, s31;
	s1 =	sadd.s32 s1, s30  }
0xba: {  	s0 =	sor.u32 s3, s0;
	s1 =	sshll.u32 s1, $0x11  }
0xbb: {  	s0 =	sor.u32 s1, s0  }
0xbc: {  	s0 =	sadd.s32 $0x8F2B, s0  }
0xbd: {  	[sflag:s0] =	ssyncadd.remote.s32 $0x1  }
0xbe: {  	_ =	sfence.sel $0xFFFF  }
0xbf: {  	[dreg:$0x0] =	wrdreg $0xFFFFFFFF;
	(pc) =	sbr.abs _section_cstart, $3  }
0xc0: {  	[dreg:$0x1] =	wrdreg $0xFFFFFFFF  }
0xc1: {  	_ =	task.clear_ibuf [dreg:s7], $0x2FFFF;
	_ =	strace $0x9FFFFFFF  }
0xc2: {  	(tm) =	ssettm $0x7FFFFFFF  }
0xc3: {  	_ =	shalt  }
tec
execute0_lowered:
.L_overlay_start_1:
0x0: {  	(tag) =	ssettag $0x1  }
0x1: {  	s0 =	rddreg [dreg:$0x0]  }
0x2: {  	s1 =	rddreg [dreg:$0x1];
	s2 =	srdreg.scid  }
0x3: {  	s9 =	stileid.u32;
	s11 =	simm.s32 $0x8900;
	s12 =	simm.s32 $0x9100  }
0x4: {  	s13 =	simm.s32 $0x9900;
	s14 =	simm.s32 $0xA100;
	s15 =	simm.s32 $0xA900  }
0x5: {  	s16 =	simm.s32 $0xB100;
	s17 =	simm.s32 $0xB900;
	s18 =	simm.s32 $0xC100  }
0x6: {  	s19 =	simm.s32 $0xC900;
	s6 =	sand.u32 $0x1, s2;
	s2 =	simm.s32 $0x0  }
0x7: {  	s21 =	simm.s32 $0xD100;
	s22 =	simm.s32 $0xD900;
	[smem:$0x7FF] =	sst s2  }
0x8: {  	s23 =	simm.s32 $0xE100;
	_ =	strace $0x80000056;
	[dreg:$0x5] =	wrdreg s11  }
0x9: {  	s24 =	simm.s32 $0xE900;
	s25 =	simm.s32 $0xF100;
	[dreg:$0x6] =	wrdreg s12  }
0xa: {  	s28 =	simm.s32 $0x7900;
	s29 =	simm.s32 $0x8100;
	[dreg:$0x7] =	wrdreg s13  }
0xb: {  	s30 =	simm.s32 $0x1;
	s31 =	simm.s32 $0x3;
	[dreg:$0x8] =	wrdreg s14  }
0xc: {  	s3 =	sshll.u32 s9, $0x9;
	s9 =	sshll.u32 s9, $0x12;
	[dreg:$0x9] =	wrdreg s15  }
0xd: {  	s4 =	sshll.u32 s6, $0x8;
	s26 =	ssub.s32 $0x2, s6;
	[dreg:$0xa] =	wrdreg s16  }
0xe: {  	s10 =	sshll.u32 s6, $0x11;
	s6 =	sadd.s32 $0x2E00, s0;
	[dreg:$0xb] =	wrdreg s17  }
0xf: {  	s7 =	sor.u32 s4, s3;
	s8 =	sshrl.u32 s26, $0x1;
	[dreg:$0xc] =	wrdreg s18  }
0x10: {  	s3 =	sadd.s32 $0x2C00, s0;
	s11 =	sadd.s32 $0x3300, s0;
	[dreg:$0xd] =	wrdreg s19  }
0x11: {  	s12 =	sadd.s32 $0x3400, s0;
	s13 =	sadd.s32 $0x3500, s0;
	[dreg:$0xe] =	wrdreg s21  }
0x12: {  	s14 =	sadd.s32 $0x3600, s0;
	s15 =	sadd.s32 $0x3700, s0;
	[dreg:$0xf] =	wrdreg s22  }
0x13: {  	s16 =	sadd.s32 $0x3800, s0;
	s17 =	sadd.s32 $0x3900, s0;
	[dreg:$0x10] =	wrdreg s23  }
0x14: {  	s18 =	sadd.s32 $0x3A00, s0;
	s19 =	sadd.s32 $0x3B00, s0;
	[dreg:$0x11] =	wrdreg s24  }
0x15: {  	s21 =	simm.s32 $0x4;
	s22 =	simm.s32 $0x100;
	[dreg:$0x12] =	wrdreg s25  }
0x16: {  	s5 =	sshrl.u32 s7, $0x3;
	s20 =	ssub.s32 s26, s8;
	s8 =	sadd.s32 s9, s1  }
0x17: {  	s7 =	sshll.u32 s7, $0x9;
	s9 =	sadd.s32 $0x3100, s0;
	s26 =	simm.s32 $0xF900  }
0x18: {  	s5 =	sadd.s32 s5, s0;
	s8 =	sadd.s32 s10, s8;
	s1 =	sadd.s32 s7, s1  }
0x19: {  	s7 =	sadd.s32 $0x2F00, s0;
	s10 =	sadd.s32 $0x3200, s0;
	s20 =	smax.u32 s20, $0x1  }
0x1a: {  	v0 =	vlaneseq.u32;
	[dreg:$0x13] =	wrdreg s26;
	s4 =	sadd.s32 $0x2800, s5;
	s5 =	sadd.s32 $0x2D00, s0  }
0x1b: {  	v1 =	vshrl.u32 v0, $0x3;
	[dreg:$0x3] =	wrdreg s8;
	s1 =	sadd.s32 $0x1000, s1;
	s8 =	sadd.s32 $0x3000, s0  }
0x1c: {  	vm0 =	vmmov $0xffff;
	v0 =	vand.u32 $0x7, v0;
	v1 =	vmul.u32 $0x8, v1;
	s0 =	simm.s32 $0x2;
	[dreg:$0x4] =	wrdreg s1;
	s1 =	simm.s32 $0x0  }
.LBB2_1:
0x1d: {  	[tilespmem:s2], [sflag:$0x4] =	stream.linear.gather [hbm4b:s4+s2], $0x100, $0x38;
	[tilespmem:$0x10100] =	vst v63  }
0x1e: {  	_ =	swait.ge [sflag:s21], $0x100  }
0x1f: {  	[sflag:s21] =	ssyncset.done $0x0  }
0x20: {  	[sflag:s21] =	ssyncadd.s32 $0xFFFFFF00  }
0x21: {  	v2 =	vld.msk [tilespmem:$0x0], $0xff;
	_ =	sdelay $0x4  }
0x22: {  	v3 =	vshll.u32 v2, $0x5  }
0x23: {  	v2 =	vand.u32 $0x7, v2;
	v3 =	vand.u32 $0xFFFFFF00, v3  }
0x24: {  	v2 =	vor.u32 v2, v3  }
0x25: {  	v2 =	vperm.xlane v2, v0;
	_ =	sdelay $0x1  }
0x26: {  	v2 =	vadd.s32 v1, v2;
	_ =	sdelay $0x4  }
0x27: {  	[tilespmem:s22], [sflag:$0x1] =	stream.indirect_vreg.gather [hbm4b:s3+s2], $0x80, v2, vm0, $0xb8;
	[tilespmem:$0x10100] =	vst v63  }
0x28: {  	s23 =	simm.s32 $0x900  }
0x29: {  	[tilespmem:s23], [sflag:$0x1] =	stream.indirect_vreg.gather [hbm4b:s5+s2], $0x80, v2, vm0, $0xb8;
	[tilespmem:$0x10100] =	vst v63  }
0x2a: {  	s26 =	simm.s32 $0x1100  }
0x2b: {  	[tilespmem:s26], [sflag:$0x1] =	stream.indirect_vreg.gather [hbm4b:s6+s2], $0x80, v2, vm0, $0xb8;
	[tilespmem:$0x10100] =	vst v63  }
0x2c: {  	s24 =	simm.s32 $0x1900  }
0x2d: {  	[tilespmem:s24], [sflag:$0x1] =	stream.indirect_vreg.gather [hbm4b:s7+s2], $0x80, v2, vm0, $0xb8;
	[tilespmem:$0x10100] =	vst v63  }
0x2e: {  	s25 =	simm.s32 $0x2100  }
0x2f: {  	[tilespmem:s25], [sflag:$0x1] =	stream.indirect_vreg.gather [hbm4b:s8+s2], $0x80, v2, vm0, $0xb8;
	[tilespmem:$0x10100] =	vst v63  }
0x30: {  	s26 =	simm.s32 $0x2900  }
0x31: {  	[tilespmem:s26], [sflag:$0x1] =	stream.indirect_vreg.gather [hbm4b:s9+s2], $0x80, v2, vm0, $0xb8;
	[tilespmem:$0x10100] =	vst v63  }
0x32: {  	s24 =	simm.s32 $0x3100  }
0x33: {  	[tilespmem:s24], [sflag:$0x1] =	stream.indirect_vreg.gather [hbm4b:s10+s2], $0x80, v2, vm0, $0xb8;
	[tilespmem:$0x10100] =	vst v63  }
0x34: {  	s25 =	simm.s32 $0x3900  }
0x35: {  	[tilespmem:s25], [sflag:$0x1] =	stream.indirect_vreg.gather [hbm4b:s11+s2], $0x80, v2, vm0, $0xb8;
	[tilespmem:$0x10100] =	vst v63  }
0x36: {  	s26 =	simm.s32 $0x4100  }
0x37: {  	[tilespmem:s26], [sflag:$0x1] =	stream.indirect_vreg.gather [hbm4b:s12+s2], $0x80, v2, vm0, $0xb8;
	[tilespmem:$0x10100] =	vst v63  }
0x38: {  	s24 =	simm.s32 $0x4900  }
0x39: {  	[tilespmem:s24], [sflag:$0x1] =	stream.indirect_vreg.gather [hbm4b:s13+s2], $0x80, v2, vm0, $0xb8;
	[tilespmem:$0x10100] =	vst v63  }
0x3a: {  	s25 =	simm.s32 $0x5100  }
0x3b: {  	[tilespmem:s25], [sflag:$0x1] =	stream.indirect_vreg.gather [hbm4b:s14+s2], $0x80, v2, vm0, $0xb8;
	[tilespmem:$0x10100] =	vst v63  }
0x3c: {  	s26 =	simm.s32 $0x5900  }
0x3d: {  	[tilespmem:s26], [sflag:$0x1] =	stream.indirect_vreg.gather [hbm4b:s15+s2], $0x80, v2, vm0, $0xb8;
	[tilespmem:$0x10100] =	vst v63  }
0x3e: {  	s24 =	simm.s32 $0x6100  }
0x3f: {  	[tilespmem:s24], [sflag:$0x1] =	stream.indirect_vreg.gather [hbm4b:s16+s2], $0x80, v2, vm0, $0xb8;
	[tilespmem:$0x10100] =	vst v63  }
0x40: {  	s25 =	simm.s32 $0x6900  }
0x41: {  	[tilespmem:s25], [sflag:$0x1] =	stream.indirect_vreg.gather [hbm4b:s17+s2], $0x80, v2, vm0, $0xb8;
	[tilespmem:$0x10100] =	vst v63  }
0x42: {  	s26 =	simm.s32 $0x7100  }
0x43: {  	[tilespmem:s26], [sflag:$0x1] =	stream.indirect_vreg.gather [hbm4b:s18+s2], $0x80, v2, vm0, $0xb8;
	[tilespmem:$0x10100] =	vst v63  }
0x44: {  	s23 =	simm.s32 $0x10;
	s24 =	simm.s32 $0x0  }
0x45: {  	[tilespmem:s28], [sflag:$0x1] =	stream.indirect_vreg.gather [hbm4b:s19+s2], $0x80, v2, vm0, $0xb8;
	[tilespmem:$0x10100] =	vst v63  }
.LBB2_2:
0x46: {  	v2 =	vld.msk [tilespmem:s23+$0xFFFFFFF8], $0xff;
	_ =	sdelay $0x4  }
0x47: {  	v3 =	vshll.u32 v2, $0x5  }
0x48: {  	v2 =	vand.u32 $0x7, v2;
	v3 =	vand.u32 $0xFFFFFF00, v3  }
0x49: {  	v2 =	vor.u32 v2, v3  }
0x4a: {  	v2 =	vperm.xlane v2, v0;
	_ =	sdelay $0x1  }
0x4b: {  	v2 =	vadd.s32 v1, v2;
	_ =	sdelay $0x4  }
0x4c: {  	[tilespmem:s29], [sflag:$0x2] =	stream.indirect_vreg.gather [hbm4b:s3+s2], $0x80, v2, vm0, $0xb8;
	[tilespmem:$0x10100] =	vst v63  }
0x4d: {  	s25 =	rddreg [dreg:$0x5]  }
0x4e: {  	[tilespmem:s25], [sflag:$0x2] =	stream.indirect_vreg.gather [hbm4b:s5+s2], $0x80, v2, vm0, $0xb8;
	[tilespmem:$0x10100] =	vst v63  }
0x4f: {  	s26 =	rddreg [dreg:$0x6]  }
0x50: {  	[tilespmem:s26], [sflag:$0x2] =	stream.indirect_vreg.gather [hbm4b:s6+s2], $0x80, v2, vm0, $0xb8;
	[tilespmem:$0x10100] =	vst v63  }
0x51: {  	s25 =	rddreg [dreg:$0x7]  }
0x52: {  	[tilespmem:s25], [sflag:$0x2] =	stream.indirect_vreg.gather [hbm4b:s7+s2], $0x80, v2, vm0, $0xb8;
	[tilespmem:$0x10100] =	vst v63  }
0x53: {  	s26 =	rddreg [dreg:$0x8]  }
0x54: {  	[tilespmem:s26], [sflag:$0x2] =	stream.indirect_vreg.gather [hbm4b:s8+s2], $0x80, v2, vm0, $0xb8;
	[tilespmem:$0x10100] =	vst v63  }
0x55: {  	s25 =	rddreg [dreg:$0x9]  }
0x56: {  	[tilespmem:s25], [sflag:$0x2] =	stream.indirect_vreg.gather [hbm4b:s9+s2], $0x80, v2, vm0, $0xb8;
	[tilespmem:$0x10100] =	vst v63  }
0x57: {  	s26 =	rddreg [dreg:$0xa]  }
0x58: {  	[tilespmem:s26], [sflag:$0x2] =	stream.indirect_vreg.gather [hbm4b:s10+s2], $0x80, v2, vm0, $0xb8;
	[tilespmem:$0x10100] =	vst v63  }
0x59: {  	s25 =	rddreg [dreg:$0xb]  }
0x5a: {  	[tilespmem:s25], [sflag:$0x2] =	stream.indirect_vreg.gather [hbm4b:s11+s2], $0x80, v2, vm0, $0xb8;
	[tilespmem:$0x10100] =	vst v63  }
0x5b: {  	s26 =	rddreg [dreg:$0xc]  }
0x5c: {  	[tilespmem:s26], [sflag:$0x2] =	stream.indirect_vreg.gather [hbm4b:s12+s2], $0x80, v2, vm0, $0xb8;
	[tilespmem:$0x10100] =	vst v63  }
0x5d: {  	s25 =	rddreg [dreg:$0xd]  }
0x5e: {  	[tilespmem:s25], [sflag:$0x2] =	stream.indirect_vreg.gather [hbm4b:s13+s2], $0x80, v2, vm0, $0xb8;
	[tilespmem:$0x10100] =	vst v63  }
0x5f: {  	s26 =	rddreg [dreg:$0xe]  }
0x60: {  	[tilespmem:s26], [sflag:$0x2] =	stream.indirect_vreg.gather [hbm4b:s14+s2], $0x80, v2, vm0, $0xb8;
	[tilespmem:$0x10100] =	vst v63  }
0x61: {  	s25 =	rddreg [dreg:$0xf]  }
0x62: {  	[tilespmem:s25], [sflag:$0x2] =	stream.indirect_vreg.gather [hbm4b:s15+s2], $0x80, v2, vm0, $0xb8;
	[tilespmem:$0x10100] =	vst v63  }
0x63: {  	s26 =	rddreg [dreg:$0x10]  }
0x64: {  	[tilespmem:s26], [sflag:$0x2] =	stream.indirect_vreg.gather [hbm4b:s16+s2], $0x80, v2, vm0, $0xb8;
	[tilespmem:$0x10100] =	vst v63  }
0x65: {  	s25 =	rddreg [dreg:$0x11]  }
0x66: {  	[tilespmem:s25], [sflag:$0x2] =	stream.indirect_vreg.gather [hbm4b:s17+s2], $0x80, v2, vm0, $0xb8;
	[tilespmem:$0x10100] =	vst v63  }
0x67: {  	s26 =	rddreg [dreg:$0x12]  }
0x68: {  	[tilespmem:s26], [sflag:$0x2] =	stream.indirect_vreg.gather [hbm4b:s18+s2], $0x80, v2, vm0, $0xb8;
	[tilespmem:$0x10100] =	vst v63  }
0x69: {  	s25 =	rddreg [dreg:$0x13]  }
0x6a: {  	[tilespmem:s25], [sflag:$0x2] =	stream.indirect_vreg.gather [hbm4b:s19+s2], $0x80, v2, vm0, $0xb8;
	[tilespmem:$0x10100] =	vst v63  }
0x6b: {  	_ =	swait.ge [sflag:s30], $0x8000  }
0x6c: {  	s26 =	rddreg [dreg:$0x3];
	[sflag:s30] =	ssyncset.done $0x0  }
0x6d: {  	[sflag:s30] =	ssyncadd.s32 $0xFFFF8000;
	s25 =	sadd.s32 s24, s26  }
0x6e: {  	[hbm4b:s25+s2] =	stream.linear.scatter [tilespmem:s22], [sflag:$0x3], $0x8000, $0x38;
	[tilespmem:$0x10100] =	vst v63  }
0x6f: {  	_ =	swait.ge [sflag:s31], $0x8000  }
0x70: {  	[sflag:s31] =	ssyncset.done $0x0  }
0x71: {  	p0 =	seq.s32 s24, $0x1E000;
	[sflag:s31] =	ssyncadd.s32 $0xFFFF8000  }
0x72: {  	v2 =	vld.msk @!p0 [tilespmem:s23+$0x0], $0xff;
	_ =	sdelay $0x4  }
0x73: {  	v3 =	vshll.u32 @!p0 v2, $0x5  }
0x74: {  	v4 =	vlaneseq.u32 @!p0;
	v2 =	vand.u32 @!p0 $0x7, v2;
	v3 =	vand.u32 @!p0 $0xFFFFFF00, v3  }
0x75: {  	v2 =	vor.u32 @!p0 v2, v3;
	v3 =	vand.u32 @!p0 $0x7, v4;
	v4 =	vshrl.u32 @!p0 v4, $0x3  }
0x76: {  	v2 =	vperm.xlane @!p0 v2, v3;
	v3 =	vmul.u32 @!p0 $0x8, v4;
	_ =	sdelay $0x1  }
0x77: {  	v2 =	vadd.s32 @!p0 v3, v2;
	_ =	sdelay $0x3  }
0x78: {  	vm1 =	vmmov @!p0 $0xffff;
	s26 =	simm.s32 @!p0 $0x100;
	s25 =	simm.s32 @!p0 $0x0  }
0x79: {  	[tilespmem:s26], [sflag:$0x1] =	stream.indirect_vreg.gather @!p0 [hbm4b:s3+s25], $0x80, v2, vm1, $0xb8;
	[tilespmem:$0x10100] =	vst v63  }
0x7a: {  	s26 =	simm.s32 @!p0 $0x900  }
0x7b: {  	[tilespmem:s26], [sflag:$0x1] =	stream.indirect_vreg.gather @!p0 [hbm4b:s5+s25], $0x80, v2, vm1, $0xb8;
	[tilespmem:$0x10100] =	vst v63  }
0x7c: {  	s26 =	simm.s32 @!p0 $0x1100  }
0x7d: {  	[tilespmem:s26], [sflag:$0x1] =	stream.indirect_vreg.gather @!p0 [hbm4b:s6+s25], $0x80, v2, vm1, $0xb8;
	[tilespmem:$0x10100] =	vst v63  }
0x7e: {  	s26 =	simm.s32 @!p0 $0x1900  }
0x7f: {  	[tilespmem:s26], [sflag:$0x1] =	stream.indirect_vreg.gather @!p0 [hbm4b:s7+s25], $0x80, v2, vm1, $0xb8;
	[tilespmem:$0x10100] =	vst v63  }
0x80: {  	s26 =	simm.s32 @!p0 $0x2100  }
0x81: {  	[tilespmem:s26], [sflag:$0x1] =	stream.indirect_vreg.gather @!p0 [hbm4b:s8+s25], $0x80, v2, vm1, $0xb8;
	[tilespmem:$0x10100] =	vst v63  }
0x82: {  	s26 =	simm.s32 @!p0 $0x2900  }
0x83: {  	[tilespmem:s26], [sflag:$0x1] =	stream.indirect_vreg.gather @!p0 [hbm4b:s9+s25], $0x80, v2, vm1, $0xb8;
	[tilespmem:$0x10100] =	vst v63  }
0x84: {  	s26 =	simm.s32 @!p0 $0x3100  }
0x85: {  	[tilespmem:s26], [sflag:$0x1] =	stream.indirect_vreg.gather @!p0 [hbm4b:s10+s25], $0x80, v2, vm1, $0xb8;
	[tilespmem:$0x10100] =	vst v63  }
0x86: {  	s26 =	simm.s32 @!p0 $0x3900  }
0x87: {  	[tilespmem:s26], [sflag:$0x1] =	stream.indirect_vreg.gather @!p0 [hbm4b:s11+s25], $0x80, v2, vm1, $0xb8;
	[tilespmem:$0x10100] =	vst v63  }
0x88: {  	s26 =	simm.s32 @!p0 $0x4100  }
0x89: {  	[tilespmem:s26], [sflag:$0x1] =	stream.indirect_vreg.gather @!p0 [hbm4b:s12+s25], $0x80, v2, vm1, $0xb8;
	[tilespmem:$0x10100] =	vst v63  }
0x8a: {  	s26 =	simm.s32 @!p0 $0x4900  }
0x8b: {  	[tilespmem:s26], [sflag:$0x1] =	stream.indirect_vreg.gather @!p0 [hbm4b:s13+s25], $0x80, v2, vm1, $0xb8;
	[tilespmem:$0x10100] =	vst v63  }
0x8c: {  	s26 =	simm.s32 @!p0 $0x5100  }
0x8d: {  	[tilespmem:s26], [sflag:$0x1] =	stream.indirect_vreg.gather @!p0 [hbm4b:s14+s25], $0x80, v2, vm1, $0xb8;
	[tilespmem:$0x10100] =	vst v63  }
0x8e: {  	s26 =	simm.s32 @!p0 $0x5900  }
0x8f: {  	[tilespmem:s26], [sflag:$0x1] =	stream.indirect_vreg.gather @!p0 [hbm4b:s15+s25], $0x80, v2, vm1, $0xb8;
	[tilespmem:$0x10100] =	vst v63  }
0x90: {  	s26 =	simm.s32 @!p0 $0x6100  }
0x91: {  	[tilespmem:s26], [sflag:$0x1] =	stream.indirect_vreg.gather @!p0 [hbm4b:s16+s25], $0x80, v2, vm1, $0xb8;
	[tilespmem:$0x10100] =	vst v63  }
0x92: {  	s26 =	simm.s32 @!p0 $0x6900  }
0x93: {  	[tilespmem:s26], [sflag:$0x1] =	stream.indirect_vreg.gather @!p0 [hbm4b:s17+s25], $0x80, v2, vm1, $0xb8;
	[tilespmem:$0x10100] =	vst v63  }
0x94: {  	s26 =	simm.s32 @!p0 $0x7100  }
0x95: {  	[tilespmem:s26], [sflag:$0x1] =	stream.indirect_vreg.gather @!p0 [hbm4b:s18+s25], $0x80, v2, vm1, $0xb8;
	[tilespmem:$0x10100] =	vst v63  }
0x96: {  	s26 =	simm.s32 @!p0 $0x7900  }
0x97: {  	[tilespmem:s26], [sflag:$0x1] =	stream.indirect_vreg.gather @!p0 [hbm4b:s19+s25], $0x80, v2, vm1, $0xb8;
	[tilespmem:$0x10100] =	vst v63  }
0x98: {  	_ =	swait.ge [sflag:s0], $0x8000  }
0x99: {  	s26 =	rddreg [dreg:$0x4]  }
0x9a: {  	s25 =	sadd.s32 s24, s26;
	s24 =	sadd.s32 $0x2000, s24  }
0x9b: {  	[sflag:s0] =	ssyncset.done $0x0;
	p0 =	sne.s32 s24, $0x20000  }
.Ltmp0:
0x9c: {  	[sflag:s0] =	ssyncadd.s32 $0xFFFF8000;
	(pc) =	sbr.rel @p0 .LBB2_2-.Ltmp0, $4  }
0x9d: {  	[hbm4b:s25+s2] =	stream.linear.scatter [tilespmem:s29], [sflag:$0x3], $0x8000, $0x38;
	[tilespmem:$0x10100] =	vst v63  }
0x9e: {  	_ =	swait.ge [sflag:s31], $0x8000  }
0x9f: {  	[sflag:s31] =	ssyncset.done $0x0  }
0xa0: {  	s23 =	sadd.s32 $0x10, s23;
	[sflag:s31] =	ssyncadd.s32 $0xFFFF8000  }
0xa1: {  	s1 =	sadd.s32 $0x1, s1  }
0xa2: {  	p0 =	sne.s32 s1, s20  }
.Ltmp1:
0xa3: {  	_ = 	snop;
	(pc) =	sbr.rel @p0 .LBB2_1-.Ltmp1, $1  }
0xa4: {  	_ =	sdelay $0x3  }
0xa5: {  	_ =	sfence.sel $0x180000  }
0xa6: {  	[bflag:$0x0] =	sbarrier.arrive $0xFFFF  }
0xa7: {  	_ =	strace $0x90000056  }
0xa8: {  	s0 =	stileid.u32;
	[bflag:$0x2] =	sbarrier.arrive $0xFFFF  }
0xa9: {  	p0 =	sne.s32 s0, $0x0;
	s0 =	rddreg [dreg:$0x2]  }
0xaa: {  	s0 =	sadd.s32 @!p0 $0x100000, s0  }
0xab: {  	[sflag:s0] =	ssyncadd.tile.s32 @!p0 $0x1;
	_ =	shalt  }
.Lfunc_end2:
_tile_overlayer_lowered:
.L_overlay_start_2:
0xac: {  	(tag) =	ssettag $0x2  }
0xad: {  	s0 =	rddreg [dreg:$0x0];
	s2 =	stileid.u32  }
0xae: {  	s1 =	rddreg [dreg:$0x1];
	p0 =	sne.s32 s2, $0x0  }
0xaf: {  	s3 =	rddreg [dreg:$0x2];
	[bflag:$0x3] =	sbarrier.arrive $0xFFFF;
	s2 =	simm.s32 @!p0 $0x1C04  }
0xb0: {  	[timem:s3], [sflag:s2] =	dma.local @!p0 [hbm:s0], s1  }
0xb1: {  	s0 =	simm.s32 @!p0 $0x4  }
0xb2: {  	_ =	swait.ge @!p0 [sflag:s0], s1  }
0xb3: {  	s1 =	ssub.s32 @!p0 $0x0, s1;
	[sflag:s0] =	ssyncset.done @!p0 $0x0  }
0xb4: {  	[sflag:s0] =	ssyncadd.s32 @!p0 s1  }
0xb5: {  	[bflag:$0x3] =	sbarrier.arrive $0xFFFF  }
0xb6: {  	_ =	shalt  }

// kernel: kernel.7.cloned.1.call-start
scs
__scs_entry_jumppad:
0x0: {  	(pc) =	sbr.rel $0x88, $3  }
0x1: {  	(tag) =	ssettag $0x0;
	lr =	simm.s32 $0x1  }
0x2: {  	[smem:$0x3F9A] =	sst lr;
	_ =	strace $0xD0000000  }
0x3: {  	_ = 	snop  }
0x4: {  	_ = 	snop  }
0x5: {  	_ = 	snop  }
0x6: {  	_ = 	snop  }
0x7: {  	_ = 	snop  }
__scs_overlays_trampoline_lowered:
0x8: {  	[smem:$0x3FA9] =	sst s0  }
0x9: {  	[smem:$0x3FAA] =	sst s1  }
0xa: {  	[smem:$0x3FAB] =	sst s2  }
0xb: {  	[smem:$0x3FAC] =	sst s3  }
0xc: {  	[smem:$0x3FAD] =	sst s4  }
0xd: {  	[smem:$0x3FAE] =	sst s5  }
0xe: {  	[smem:$0x3FAF] =	sst s6  }
0xf: {  	[smem:$0x3FB0] =	sst s7  }
0x10: {  	[smem:$0x3FB1] =	sst s8  }
0x11: {  	[smem:$0x3FB2] =	sst s9;
	s0 =	simm.s32 @!p0 $0x0  }
0x12: {  	s1 =	sld [smem:$0x3F98];
	s0 =	simm.s32 @p0 $0x1  }
0x13: {  	[smem:$0x3FB3] =	sst s0;
	s0 =	simm.s32 @!p1 $0x0  }
0x14: {  	s2 =	sld [smem:$0x3F97];
	s0 =	simm.s32 @p1 $0x1  }
0x15: {  	[smem:$0x3FB4] =	sst s0;
	s0 =	simm.s32 @!p2 $0x0  }
0x16: {  	s3 =	sld [smem:$0x3FDB];
	s0 =	simm.s32 @p2 $0x1  }
0x17: {  	s4 =	simm.s32 $0x1BF5;
	[smem:$0x3FB6] =	sst s0  }
0x18: {  	s0 =	sld [smem:$0x3F99];
	_ =	swait.ge [sflag:s4], $0x0  }
0x19: {  	s7 =	sld [smem:$0x3F9A]  }
0x1a: {  	s8 =	sadd.s32 $0xFFFFE003, lr  }
0x1b: {  	s9 =	sadd.s32 $0xFFFFFEF7, lr;
	s5 =	simm.s32 $0xFFFFFFFF;
	p2 =	slt.u32 s8, $0xFFFFF086  }
0x1c: {  	p1 =	slt.u32 s9, $0xF7A;
	s5 =	simm.s32 @!p2 $0x0  }
0x1d: {  	s5 =	simm.s32 @p1 $0x1;
	p0 =	seq.s32 s7, s2  }
0x1e: {  	s7 =	smul.u32 @!p0 $0xF7A, s2;
	p2 =	seq.s32 @!p0 s5, $0x0  }
0x1f: {  	s9 =	smul.u32 $0xF7A, s1;
	s8 =	simm.s32 @!p0 $0x1BF5;
	p2 =	por !p2, p0  }
0x20: {  	[sflag:s8] =	ssyncset.s32 @!p0 $0xFFFFF086;
	s6 =	sadd.s32 @!p0 s3, s7;
	s7 =	simm.s32 @!p0 $0x108  }
0x21: {  	s3 =	sadd.s32 s3, s9;
	s6 =	sadd.s32 @!p0 $0x88, s6;
	s7 =	simm.s32 @p2 $0x1082  }
0x22: {  	[simem:s7], [sflag:s8] =	dma.local @!p0 [hbm:s6], $0xF7A  }
0x23: {  	s9 =	sor.u32 $0xD0000000, s2;
	s6 =	simm.s32 $0x108;
	_ =	swait.ge @!p0 [sflag:s8], $0x0  }
0x24: {  	s3 =	sadd.s32 $0x88, s3;
	s6 =	simm.s32 @!p1 $0x1082;
	[sflag:s4] =	ssyncset.s32 $0xFFFFF086  }
0x25: {  	[simem:s6], [sflag:s4] =	dma.local [hbm:s3], $0xF7A  }
0x26: {  	[smem:$0x3F9A] =	sst s1;
	(tag) =	ssettag s2;
	_ =	strace s9  }
0x27: {  	s1 =	sld [smem:$0x3FAA]  }
0x28: {  	s2 =	sld [smem:$0x3FAB]  }
0x29: {  	s4 =	sld [smem:$0x3FAD]  }
0x2a: {  	p0 =	seq.s32 s5, $0x0;
	s5 =	sld [smem:$0x3FAE]  }
0x2b: {  	s6 =	sld [smem:$0x3FAF]  }
0x2c: {  	s7 =	sld [smem:$0x3FB0]  }
0x2d: {  	s3 =	simm.s32 $0x108;
	s8 =	sld [smem:$0x3FB1]  }
0x2e: {  	s3 =	simm.s32 @!p0 $0x1082;
	s9 =	sld [smem:$0x3FB2]  }
0x2f: {  	lr =	sadd.s32 s0, s3;
	s0 =	sld [smem:$0x3FA9]  }
0x30: {  	s3 =	sld [smem:$0x3FAC]  }
0x31: {  	[smem:$0x3FB5] =	sst s10  }
0x32: {  	s10 =	sld [smem:$0x3FB3];
	_ =	sdelay $0x3  }
0x33: {  	p0 =	seq.s32 s10, $0x1;
	s10 =	sld [smem:$0x3FB5];
	_ =	sdelay $0x3  }
0x34: {  	[smem:$0x3FB5] =	sst s10  }
0x35: {  	s10 =	sld [smem:$0x3FB4];
	_ =	sdelay $0x3  }
0x36: {  	p1 =	seq.s32 s10, $0x1;
	s10 =	sld [smem:$0x3FB5];
	_ =	sdelay $0x3  }
0x37: {  	[smem:$0x3FB5] =	sst s10  }
0x38: {  	s10 =	sld [smem:$0x3FB6]  }
0x39: {  	_ = 	snop;
	(pc) =	sbr.ind lr, $3  }
0x3a: {  	_ = 	snop  }
0x3b: {  	_ = 	snop  }
0x3c: {  	p2 =	seq.s32 s10, $0x1;
	s10 =	sld [smem:$0x3FB5]  }
0x3d: {  	_ =	shalt  }
0x3e: {  	_ =	shalt  }
0x3f: {  	_ =	shalt  }
0x40: {  	_ =	shalt  }
0x41: {  	_ =	shalt  }
0x42: {  	_ =	shalt  }
0x43: {  	_ =	shalt  }
0x44: {  	_ =	shalt  }
0x45: {  	_ =	shalt  }
0x46: {  	_ =	shalt  }
0x47: {  	_ =	shalt  }
0x48: {  	_ =	shalt  }
0x49: {  	_ =	shalt  }
0x4a: {  	_ =	shalt  }
0x4b: {  	_ =	shalt  }
0x4c: {  	_ =	shalt  }
0x4d: {  	_ =	shalt  }
0x4e: {  	_ =	shalt  }
0x4f: {  	_ =	shalt  }
0x50: {  	_ =	shalt  }
0x51: {  	_ =	shalt  }
0x52: {  	_ =	shalt  }
0x53: {  	_ =	shalt  }
0x54: {  	_ =	shalt  }
0x55: {  	_ =	shalt  }
0x56: {  	_ =	shalt  }
0x57: {  	_ =	shalt  }
0x58: {  	_ =	shalt  }
0x59: {  	_ =	shalt  }
0x5a: {  	_ =	shalt  }
0x5b: {  	_ =	shalt  }
0x5c: {  	_ =	shalt  }
0x5d: {  	_ =	shalt  }
0x5e: {  	_ =	shalt  }
0x5f: {  	_ =	shalt  }
0x60: {  	_ =	shalt  }
0x61: {  	_ =	shalt  }
0x62: {  	_ =	shalt  }
0x63: {  	_ =	shalt  }
0x64: {  	_ =	shalt  }
0x65: {  	_ =	shalt  }
0x66: {  	_ =	shalt  }
0x67: {  	_ =	shalt  }
0x68: {  	_ =	shalt  }
0x69: {  	_ =	shalt  }
0x6a: {  	_ =	shalt  }
0x6b: {  	_ =	shalt  }
0x6c: {  	_ =	shalt  }
0x6d: {  	_ =	shalt  }
0x6e: {  	_ =	shalt  }
0x6f: {  	_ =	shalt  }
0x70: {  	_ =	shalt  }
0x71: {  	_ =	shalt  }
0x72: {  	_ =	shalt  }
0x73: {  	_ =	shalt  }
0x74: {  	_ =	shalt  }
0x75: {  	_ =	shalt  }
0x76: {  	_ =	shalt  }
0x77: {  	_ =	shalt  }
0x78: {  	_ =	shalt  }
0x79: {  	_ =	shalt  }
0x7a: {  	_ =	shalt  }
0x7b: {  	_ =	shalt  }
0x7c: {  	_ =	shalt  }
0x7d: {  	_ =	shalt  }
0x7e: {  	_ =	shalt  }
0x7f: {  	_ =	shalt  }
0x80: {  	_ =	shalt  }
0x81: {  	_ =	shalt  }
0x82: {  	_ =	shalt  }
0x83: {  	_ =	shalt  }
0x84: {  	_ =	shalt  }
0x85: {  	_ =	shalt  }
0x86: {  	_ =	shalt  }
0x87: {  	_ =	shalt  }
.Lfunc_end0:
.L_simem_size_0:
called_computation.3_lowered:
.L_overlay_start_0:
0x88: {  	s2 =	sld [smem:$0x3FD9]  }
0x89: {  	s3 =	sld [smem:$0x3FFE];
	_ =	sdelay $0x1  }
0x8a: {  	s1 =	srdreg.scid  }
0x8b: {  	s0 =	sand.u32 $0x1, s1  }
0x8c: {  	s17 =	sshll.u32 s0, $0xA;
	s2 =	sadd.s32 s3, s2  }
0x8d: {  	s2 =	sadd.s32 s2, s17  }
0x8e: {  	[smem:$0x3FC1] =	sst s2  }
0x8f: {  	_ = 	snop  }
0x90: {  	(tm) =	ssettm $0x1  }
0x91: {  	s18 =	sld [smem:$0x3FFB];
	_ =	sdelay $0x3  }
0x92: {  	_ =	strace s18  }
0x93: {  	s2 =	sld [smem:$0x3FFC];
	_ =	sdelay $0x3  }
0x94: {  	_ =	strace s2  }
0x95: {  	s2 =	sld [smem:$0x3FFD];
	_ =	sdelay $0x3  }
0x96: {  	_ =	strace s2  }
0x97: {  	_ =	strace $0x8FFFFFFF  }
0x98: {  	s19 =	sld [smem:$0x3FDB];
	_ =	sdelay $0x1  }
0x99: {  	s20 =	simm.s32 $_scs_section_size  }
0x9a: {  	s4 =	simm.s32 $_size__tile_overlayer_lowered;
	s5 =	simm.s32 $_tile_overlayer_lowered  }
0x9b: {  	s6 =	simm.s32 $0x1BFF;
	s21 =	sshll.u32 s5, $0x1;
	s3 =	sadd.s32 s20, s19  }
0x9c: {  	s22 =	simm.s32 $0x0;
	s4 =	sshll.u32 s4, $0x1;
	s5 =	sadd.s32 s21, s3  }
0x9d: {  	[timem:s22], [sflag:s6] =	dma.local [hbm:s5], s4  }
0x9e: {  	_ =	swait.ge [sflag:s6], s4  }
0x9f: {  	s4 =	ssub.s32 $0x0, s4;
	[sflag:s6] =	ssyncset.done $0x0  }
0xa0: {  	[sflag:s6] =	ssyncadd.s32 s4;
	_ =	sdelay $0x1  }
0xa1: {  	s23 =	simm.s32 $0x1B8B  }
0xa2: {  	_ =	swait.ge [sflag:s23], $0x1  }
0xa3: {  	[sflag:s23] =	ssyncset.done $0x0  }
0xa4: {  	[sflag:s23] =	ssyncadd.s32 $0xFFFFFFFF  }
0xa5: {  	s4 =	sld [smem:$0x0]  }
0xa6: {  	s5 =	sand.u32 $0xFFFFFFFE, s1  }
0xa7: {  	p0 =	sne.s32 s1, s5  }
0xa8: {  	s5 =	sshll.u32 @p0 s5, $0xE  }
0xa9: {  	s5 =	sadd.s32 @p0 $0x11B8D, s5;
	s6 =	sshll.u32 @p0 s4, $0x11  }
0xaa: {  	s5 =	sor.u32 @p0 s6, s5  }
0xab: {  	[sflag:s5] =	ssyncadd.remote.s32 @p0 $0x1;
	_ =	sdelay $0x1  }
0xac: {  	s5 =	simm.s32 @p0 $0x1B8D  }
0xad: {  	_ =	swait.eq @p0 [sflag:s5], $0x1  }
0xae: {  	[sflag:s5] =	ssyncadd.s32 @p0 $0xFFFFFFFF  }
0xaf: {  	s6 =	sshll.u32 @!p0 s1, $0xE  }
0xb0: {  	s6 =	sor.u32 @!p0 $0x4000, s6;
	s5 =	simm.s32 @!p0 $0x1B8D  }
0xb1: {  	s4 =	sshll.u32 @!p0 s4, $0x11;
	s6 =	sadd.s32 @!p0 $0x11B8D, s6;
	_ =	swait.eq @!p0 [sflag:s5], $0x1  }
0xb2: {  	s4 =	sor.u32 @!p0 s4, s6;
	[sflag:s5] =	ssyncadd.s32 @!p0 $0xFFFFFFFF  }
0xb3: {  	s25 =	simm.s32 $0x1B8E;
	s24 =	sld [smem:$0x3FFE];
	[sflag:s4] =	ssyncadd.remote.s32 @!p0 $0x1  }
0xb4: {  	s26 =	simm.s32 $execute0_lowered;
	[smem:$0x3FD2] =	sst s25  }
0xb5: {  	s5 =	sshll.u32 s26, $0x1;
	_ =	strace $0x80000049;
	[dreg:$0x1] =	wrdreg $0xFFFFFFFF  }
0xb6: {  	s28 =	simm.s32 $_size_execute0_lowered;
	s3 =	sadd.s32 s3, s5;
	[dreg:$0x0] =	wrdreg $0x0  }
0xb7: {  	s5 =	sshll.u32 s28, $0x1;
	[dreg:$0x2] =	wrdreg s3  }
0xb8: {  	[dreg:$0x3] =	wrdreg s5  }
0xb9: {  	[dreg:$0x4] =	wrdreg $0xC0  }
0xba: {  	_ =	task [dreg:s22], $0x5FFFF  }
0xbb: {  	[dreg:$0x1] =	wrdreg $0xFFFFFFFF  }
0xbc: {  	[dreg:$0x0] =	wrdreg $0x60  }
0xbd: {  	[dreg:$0x2] =	wrdreg s24  }
0xbe: {  	[dreg:$0x3] =	wrdreg $0xA  }
0xbf: {  	_ =	task.clear_ibuf [dreg:s22], $0x4FFFF;
	_ =	strace $0x90000049  }
0xc0: {  	s29 =	simm.s32 $0xA;
	_ =	strace $0x8000004B  }
0xc1: {  	_ =	swait.ge [sflag:s29], $0x1  }
0xc2: {  	[sflag:s29] =	ssyncadd.s32 $0xFFFFFFFF  }
0xc3: {  	_ =	strace $0x9000004B  }
0xc4: {  	_ =	sfence  }
0xc5: {  	s30 =	sld [smem:$0x0];
	_ =	sdelay $0x2  }
0xc6: {  	s31 =	sshll.u32 s1, $0xD;
	s1 =	sshrl.u32 s1, $0x2  }
0xc7: {  	s4 =	sand.u32 $0x4000, s31;
	s1 =	sadd.s32 s1, s30  }
0xc8: {  	s0 =	sor.u32 s4, s0;
	s1 =	sshll.u32 s1, $0x11  }
0xc9: {  	s0 =	sor.u32 s1, s0  }
0xca: {  	s0 =	sadd.s32 $0x8F2B, s0  }
0xcb: {  	[sflag:s0] =	ssyncadd.remote.s32 $0x1  }
0xcc: {  	_ =	sfence.sel $0xFFFF  }
0xcd: {  	[dreg:$0x0] =	wrdreg $0xFFFFFFFF;
	(pc) =	sbr.abs _section_cstart, $3  }
0xce: {  	[dreg:$0x1] =	wrdreg $0xFFFFFFFF  }
0xcf: {  	_ =	task.clear_ibuf [dreg:s22], $0x2FFFF;
	_ =	strace $0x9FFFFFFF  }
0xd0: {  	(tm) =	ssettm $0x7FFFFFFF  }
0xd1: {  	_ =	shalt  }
tec
execute0_lowered:
.L_overlay_start_1:
0x0: {  	(tag) =	ssettag $0x1  }
0x1: {  	s0 =	srdreg.scid  }
0x2: {  	s2 =	sand.u32 $0x1, s0;
	s0 =	stileid.u32  }
0x3: {  	s3 =	sor.u32 s0, s2  }
0x4: {  	p0 =	sne.s32 s3, $0x0  }
.Ltmp0:
0x5: {  	_ = 	snop;
	(pc) =	sbr.rel @p0 .LBB2_9-.Ltmp0, $3  }
0x6: {  	_ =	sdelay $0x1  }
0x7: {  	s5 =	rddreg [dreg:$0x0]  }
0x8: {  	s1 =	rddreg [dreg:$0x1];
	_ =	strace $0x8000004A  }
0x9: {  	s6 =	ssub.s32 $0x2, s2  }
0xa: {  	s2 =	sadd.s32 $0x1C00, s5;
	s3 =	sadd.s32 $0x2000, s5;
	s4 =	sadd.s32 $0x2800, s5  }
0xb: {  	s5 =	sadd.s32 $0x2600, s5;
	s8 =	simm.s32 $0x1;
	s9 =	simm.s32 $0x2000  }
0xc: {  	s10 =	simm.s32 $0x0;
	s11 =	simm.s32 $0x4200;
	s7 =	sshrl.u32 s6, $0x1  }
0xd: {  	v0 =	vimm.s32 $0x0;
	v1 =	vlaneseq.u32;
	s12 =	simm.s32 $0x6200;
	s6 =	ssub.s32 s6, s7;
	s7 =	simm.s32 $0x0  }
.LBB2_2:
0xe: {  	[tilespmem:s10], [sflag:$0x1] =	stream.linear.gather [hbm4b:s2+s10], $0x2000, $0x38;
	[tilespmem:$0x6280] =	vst v63  }
0xf: {  	_ =	swait.ge [sflag:s8], $0x2000  }
0x10: {  	[sflag:s8] =	ssyncset.done $0x0  }
0x11: {  	s13 =	simm.s32 $0x0;
	[sflag:s8] =	ssyncadd.s32 $0xFFFFE000  }
.LBB2_3:
0x12: {  	p0 =	sne.s32 s13, $0x87C0  }
.Ltmp1:
0x13: {  	_ = 	snop;
	(pc) =	sbr.rel @p0 .LBB2_3-.Ltmp1, $3  }
0x14: {  	_ =	sdelay $0x1  }
0x15: {  	s14 =	sshra.s32 s13, $0x2  }
0x16: {  	s13 =	sadd.s32 $0x40, s13;
	[tilespmem:s14+$0x2000] =	vst v0  }
0x17: {  	s13 =	simm.s32 $0x0  }
0x18: {  	v2 =	vld [tilespmem:s13+$0x0]  }
0x19: {  	s29 =	simm.s32 $0x10  }
0x1a: {  	s30 =	simm.s32 $0x20;
	v3 =	vld [tilespmem:s29+$0x0]  }
0x1b: {  	v4 =	vld [tilespmem:s30+$0x0];
	_ =	sdelay $0x1  }
0x1c: {  	vm0 =	vgt.f32 v2, $0.0e+00  }
0x1d: {  	v2 =	vsel vm0, $0x1, v0  }
0x1e: {  	vm13 =	vgt.f32 v3, $0.0e+00;
	(xrf0) =	vadd.scan.msk.s32 $0xffff, v2  }
0x1f: {  	vm14 =	vgt.f32 v4, $0.0e+00;
	v2 =	vsel vm13, $0x1, v0  }
0x20: {  	(xrf0) =	vadd.scan.msk.s32 $0xffff, v2;
	v2 =	vsel vm14, $0x1, v0  }
0x21: {  	s31 =	simm.s32 $0x30;
	(xrf0) =	vadd.scan.msk.s32 $0xffff, v2  }
0x22: {  	v3 =	vld [tilespmem:s31+$0x0];
	_ =	sdelay $0x1  }
0x23: {  	v2, _, _ =	vpop (xrf0)  }
0x24: {  	(v2sf) =	vpush v2, $0xF  }
0x25: {  	v2, _, _ =	vpop (xrf0)  }
0x26: {  	vm15 =	vgt.f32 v3, $0.0e+00;
	(v2sf) =	vpush v2, $0xF;
	v3, _, _ =	vpop (xrf0)  }
0x27: {  	(v2sf) =	vpush v3, $0xF;
	_ =	sdelay $0x5  }
0x28: {  	s15 =	simm.s32 $0x40;
	v2 =	vsel vm15, $0x1, v0  }
0x29: {  	(xrf0) =	vadd.scan.msk.s32 $0xffff, v2;
	v2 =	vld [tilespmem:s15+$0x0];
	_ =	sdelay $0x1  }
0x2a: {  	s14 =	simm.s32 $0x140;
	s13 =	simm.s32 $0x0  }
.LBB2_5:
0x2b: {  	p0 =	sne.s32 s14, $0x7FC0  }
.Ltmp2:
0x2c: {  	s15 =	sshra.s32 s14, $0x2;
	(pc) =	sbr.rel @p0 .LBB2_5-.Ltmp2, $4  }
0x2d: {  	s14 =	sadd.s32 $0x40, s14;
	s16 =	spop (v2sf);
	vm0 =	vgt.f32 v2, $0.0e+00  }
0x2e: {  	s13 =	sadd.s32 s13, s16;
	v2 =	vld [tilespmem:s15+$0x0];
	v4 =	vsel vm0, $0x1, v0  }
0x2f: {  	(xrf0) =	vadd.scan.msk.s32 $0xffff, v4;
	v3, _, _ =	vpop (xrf0)  }
0x30: {  	(v2sf) =	vpush v3, $0xF  }
0x31: {  	_ =	sdelay $0x1  }
0x32: {  	vm0 =	vgt.f32 v2, $0.0e+00  }
0x33: {  	v2 =	vsel vm0, $0x1, v0  }
0x34: {  	(xrf0) =	vadd.scan.msk.s32 $0xffff, v2;
	_ =	sdelay $0x4  }
0x35: {  	v2, _, _ =	vpop (xrf0)  }
0x36: {  	(v2sf) =	vpush v2, $0xF;
	v2, _, _ =	vpop (xrf0)  }
0x37: {  	(v2sf) =	vpush v2, $0xF;
	_ =	sdelay $0x8  }
0x38: {  	s14 =	simm.s32 $0x0  }
0x39: {  	v2 =	vld [tilespmem:s14+$0x0]  }
0x3a: {  	s15 =	spop (v2sf)  }
0x3b: {  	s16 =	spop (v2sf);
	s13 =	sadd.s32 s13, s15  }
0x3c: {  	s13 =	sadd.s32 s13, s16;
	s24 =	spop (v2sf)  }
0x3d: {  	s13 =	sadd.s32 s13, s24;
	s25 =	spop (v2sf)  }
0x3e: {  	vm0 =	vgt.f32 v2, $0.0e+00;
	s13 =	sadd.s32 s13, s25;
	s26 =	spop (v2sf)  }
0x3f: {  	vm1 =	vmneg vm0;
	s15 =	sadd.s32 s13, s26  }
0x40: {  	v2 =	vsel vm1, $0x1, v0;
	s13 =	sadd.s32 $0x1FF, s15  }
0x41: {  	v3 =	vsel vm0, $0x1, v0;
	(xrf0) =	vadd.scan.msk.s32 $0xffff, v2;
	s28 =	sand.u32 $0x1FF, s13  }
0x42: {  	(xrf0) =	vadd.scan.msk.s32 $0xffff, v3;
	s17 =	sshra.s32 s13, $0x1F;
	p0 =	slt.s32 s13, $0x1;
	p1 =	sne.s32 s28, $0x0  }
0x43: {  	s29 =	sshrl.u32 s17, $0x17;
	p0 =	por !p0, !p1  }
0x44: {  	s16 =	simm.s32 $0x1;
	s13 =	sadd.s32 s29, s13;
	p0 =	por !p0, !p0  }
0x45: {  	s13 =	sshrl.u32 s13, $0x9;
	s16 =	simm.s32 @!p0 $0x0  }
0x46: {  	s13 =	ssub.s32 s13, s16  }
0x47: {  	v4 =	vsel vm0, $0xFFFFFFFF, v0;
	v5 =	vsel vm1, $0xFFFFFFFF, v0;
	v2, _, _ =	vpop (xrf0);
	s13 =	sshll.u32 s13, $0x9  }
0x48: {  	v4 =	vadd.s32 s14, v4;
	v3, _, _ =	vpop (xrf0);
	v2 =	vadd.s32 v5, v2;
	s30 =	sadd.s32 $0x0, s13  }
0x49: {  	(v2sf) =	vpush v3, $0xF;
	v3 =	vadd.s32 v3, v4;
	v2 =	vadd.s32 s30, v2  }
0x4a: {  	v2 =	vsel vm0, v3, v2;
	_ =	sdelay $0x2  }
0x4b: {  	s16 =	simm.s32 $0x4200  }
0x4c: {  	v3 =	vor.u32 s14, v1;
	[tilespmem:s16+$0x0] =	vst v2  }
0x4d: {  	s17 =	simm.s32 $0x10;
	[tilespmem:v2+s9+$0x0] =	vst.idx.msk $0xffff, v3  }
0x4e: {  	v2 =	vld [tilespmem:s17+$0x0];
	_ =	sdelay $0x4  }
0x4f: {  	vm0 =	vgt.f32 v2, $0.0e+00  }
0x50: {  	vm1 =	vmneg vm0  }
0x51: {  	v2 =	vsel vm1, $0x1, v0  }
0x52: {  	v3 =	vsel vm0, $0x1, v0;
	(xrf0) =	vadd.scan.msk.s32 $0xffff, v2  }
0x53: {  	(xrf0) =	vadd.scan.msk.s32 $0xffff, v3  }
0x54: {  	[smem:$0x0] =	sst s15;
	s31 =	spop (v2sf)  }
0x55: {  	[smem:$0x3] =	sst s13;
	s15 =	sadd.s32 $0x0, s31;
	s18 =	ssub.s32 $0x0, s31  }
0x56: {  	s20 =	simm.s32 $0x30;
	[smem:$0x1] =	sst s15;
	s18 =	sadd.s32 $0x10, s18  }
0x57: {  	s19 =	simm.s32 $0x10;
	s14 =	simm.s32 $0x20;
	[smem:$0x2] =	sst s18  }
.LBB2_7:
0x58: {  	p0 =	sne.s32 s20, $0x1FF0;
	v2 =	vsel vm0, $0xFFFFFFFF, v0;
	v3 =	vsel vm1, $0xFFFFFFFF, v0;
	v4, _, _ =	vpop (xrf0)  }
0x59: {  	s21 =	sadd.s32 s13, s18;
	v3 =	vadd.s32 v3, v4;
	v2 =	vadd.s32 s15, v2;
	v4, _, _ =	vpop (xrf0)  }
0x5a: {  	v2 =	vadd.s32 v4, v2;
	v3 =	vadd.s32 s21, v3;
	(v2sf) =	vpush v4, $0xF  }
0x5b: {  	v2 =	vsel vm0, v2, v3;
	_ =	sdelay $0x2  }
0x5c: {  	s16 =	sadd.s32 $0x10, s16  }
0x5d: {  	v3 =	vor.u32 s17, v1;
	s17 =	smov.u32 s14;
	s14 =	smov.u32 s20;
	[tilespmem:s16+$0x0] =	vst v2  }
0x5e: {  	s19 =	sadd.s32 $0x10, s19;
	[tilespmem:v2+s9+$0x0] =	vst.idx.msk $0xffff, v3  }
0x5f: {  	v2 =	vld [tilespmem:s19+$0x0];
	_ =	sdelay $0x4  }
0x60: {  	vm0 =	vgt.f32 v2, $0.0e+00  }
0x61: {  	vm1 =	vmneg vm0  }
0x62: {  	v2 =	vsel vm1, $0x1, v0  }
0x63: {  	v3 =	vsel vm0, $0x1, v0;
	(xrf0) =	vadd.scan.msk.s32 $0xffff, v2;
	s21 =	spop (v2sf)  }
.Ltmp3:
0x64: {  	(xrf0) =	vadd.scan.msk.s32 $0xffff, v3;
	s15 =	sadd.s32 s15, s21;
	s18 =	ssub.s32 s18, s21;
	(pc) =	sbr.rel @p0 .LBB2_7-.Ltmp3, $3  }
0x65: {  	[smem:$0x1] =	sst s15;
	s18 =	sadd.s32 $0x10, s18  }
0x66: {  	[smem:$0x2] =	sst s18;
	_ =	sdelay $0x1  }
0x67: {  	s20 =	sadd.s32 $0x10, s20  }
0x68: {  	v2 =	vsel vm0, $0xFFFFFFFF, v0;
	v3 =	vsel vm1, $0xFFFFFFFF, v0;
	v4, _, _ =	vpop (xrf0)  }
0x69: {  	s20 =	sadd.s32 s13, s18;
	v3 =	vadd.s32 v3, v4;
	v2 =	vadd.s32 s15, v2;
	v62, _, _ =	vpop (xrf0)  }
0x6a: {  	v2 =	vadd.s32 v62, v2;
	v3 =	vadd.s32 s20, v3  }
0x6b: {  	v2 =	vsel vm0, v2, v3;
	_ =	sdelay $0x2  }
0x6c: {  	s16 =	sadd.s32 $0x10, s16  }
0x6d: {  	v3 =	vor.u32 s17, v1;
	[tilespmem:s16+$0x0] =	vst v2  }
0x6e: {  	s21 =	sadd.s32 $0x10, s19;
	[tilespmem:v2+s9+$0x0] =	vst.idx.msk $0xffff, v3  }
0x6f: {  	v2 =	vld [tilespmem:s21+$0x0];
	_ =	sdelay $0x2  }
0x70: {  	(v2sf) =	vpush v62, $0xF;
	_ =	sdelay $0x1  }
0x71: {  	vm14 =	vgt.f32 v2, $0.0e+00  }
0x72: {  	vm15 =	vmneg vm14  }
0x73: {  	v2 =	vsel vm15, $0x1, v0  }
0x74: {  	v3 =	vsel vm14, $0x1, v0;
	(xrf0) =	vadd.scan.msk.s32 $0xffff, v2  }
0x75: {  	(xrf0) =	vadd.scan.msk.s32 $0xffff, v3;
	_ =	sdelay $0x4  }
0x76: {  	v2, _, _ =	vpop (xrf0)  }
0x77: {  	v3, _, _ =	vpop (xrf0)  }
0x78: {  	(v2sf) =	vpush v3, $0xF;
	_ =	sdelay $0x1  }
0x79: {  	s22 =	spop (v2sf)  }
0x7a: {  	s23 =	ssub.s32 s18, s22  }
0x7b: {  	v63 =	vsel vm14, $0xFFFFFFFF, v0;
	v5 =	vsel vm15, $0xFFFFFFFF, v0;
	s24 =	sadd.s32 s15, s22;
	s25 =	sadd.s32 $0x10, s23  }
0x7c: {  	v4 =	vadd.s32 s24, v63;
	s18 =	sadd.s32 s13, s25;
	v2 =	vadd.s32 v5, v2  }
0x7d: {  	v3 =	vadd.s32 v3, v4;
	v2 =	vadd.s32 s18, v2  }
0x7e: {  	v2 =	vsel vm14, v3, v2;
	_ =	sdelay $0x2  }
0x7f: {  	s16 =	sadd.s32 $0x10, s16  }
0x80: {  	s30 =	sshra.s32 s13, $0x9;
	v3 =	vor.u32 s14, v1;
	[tilespmem:s16+$0x0] =	vst v2  }
0x81: {  	[tilespmem:v2+s9+$0x0] =	vst.idx.msk $0xffff, v3;
	v2 =	vmov s30  }
0x82: {  	[tilespmem:$0x6200] =	vst v2  }
0x83: {  	[hbm4b:s3+s10] =	stream.linear.scatter [tilespmem:s9], [sflag:$0x1], $0x2200, $0x38;
	[tilespmem:$0x6280] =	vst v63  }
0x84: {  	[smem:$0x1] =	sst s24;
	s26 =	spop (v2sf)  }
0x85: {  	[smem:$0x2] =	sst s25;
	s28 =	sadd.s32 s24, s26;
	s29 =	ssub.s32 s25, s26  }
0x86: {  	[smem:$0x1] =	sst s28;
	s31 =	sadd.s32 $0x10, s29  }
0x87: {  	[smem:$0x2] =	sst s31  }
0x88: {  	_ =	swait.ge [sflag:s8], $0x2200  }
0x89: {  	[sflag:s8] =	ssyncset.done $0x0  }
0x8a: {  	[sflag:s8] =	ssyncadd.s32 $0xFFFFDE00  }
0x8b: {  	[hbm4b:s4+s10] =	stream.linear.scatter [tilespmem:s11], [sflag:$0x1], $0x2000, $0x38;
	[tilespmem:$0x6280] =	vst v63  }
0x8c: {  	s7 =	sadd.s32 $0x1, s7;
	_ =	swait.ge [sflag:s8], $0x2000  }
0x8d: {  	p0 =	sne.s32 s7, s6;
	[sflag:s8] =	ssyncset.done $0x0  }
.Ltmp4:
0x8e: {  	[sflag:s8] =	ssyncadd.s32 $0xFFFFE000;
	(pc) =	sbr.rel @p0 .LBB2_2-.Ltmp4, $4  }
0x8f: {  	[hbm4b:s5+s10] =	stream.linear.scatter [tilespmem:s12], [sflag:$0x1], $0x80, $0x38;
	[tilespmem:$0x6280] =	vst v63  }
0x90: {  	_ =	swait.ge [sflag:s8], $0x80  }
0x91: {  	[sflag:s8] =	ssyncset.done $0x0  }
0x92: {  	[sflag:s8] =	ssyncadd.s32 $0xFFFFFF80  }
.LBB2_9:
0x93: {  	_ =	sfence.sel $0x180000  }
0x94: {  	[bflag:$0x0] =	sbarrier.arrive $0xFFFF  }
0x95: {  	p0 =	sne.s32 s0, $0x0;
	_ =	strace $0x9000004A  }
0x96: {  	s0 =	sadd.s32 @!p0 $0x100000, s1;
	[bflag:$0x2] =	sbarrier.arrive $0xFFFF  }
0x97: {  	[sflag:s0] =	ssyncadd.tile.s32 @!p0 $0x1;
	_ =	shalt  }
.Lfunc_end2:
_tile_overlayer_lowered:
.L_overlay_start_2:
0x98: {  	(tag) =	ssettag $0x2  }
0x99: {  	s0 =	rddreg [dreg:$0x0];
	s2 =	stileid.u32  }
0x9a: {  	s1 =	rddreg [dreg:$0x1];
	p0 =	sne.s32 s2, $0x0  }
0x9b: {  	s3 =	rddreg [dreg:$0x2];
	[bflag:$0x3] =	sbarrier.arrive $0xFFFF;
	s2 =	simm.s32 @!p0 $0x1C02  }
0x9c: {  	[timem:s3], [sflag:s2] =	dma.local @!p0 [hbm:s0], s1  }
0x9d: {  	s0 =	simm.s32 @!p0 $0x2  }
0x9e: {  	_ =	swait.ge @!p0 [sflag:s0], s1  }
0x9f: {  	s1 =	ssub.s32 @!p0 $0x0, s1;
	[sflag:s0] =	ssyncset.done @!p0 $0x0  }
0xa0: {  	[sflag:s0] =	ssyncadd.s32 @!p0 s1  }
0xa1: {  	[bflag:$0x3] =	sbarrier.arrive $0xFFFF  }
0xa2: {  	_ =	shalt  }

// kernel: sparse-core-data-format-call.1.cloned.1.call-start
scs
called_computation.1_lowered:
.L_overlay_start_0:
0x0: {  	s2 =	sld [smem:$0x3FD9]  }
0x1: {  	s3 =	sld [smem:$0x3FFE];
	_ =	sdelay $0x1  }
0x2: {  	s1 =	srdreg.scid  }
0x3: {  	s0 =	sand.u32 $0x1, s1  }
0x4: {  	s18 =	sshll.u32 s0, $0xA;
	s2 =	sadd.s32 s3, s2  }
0x5: {  	s2 =	sadd.s32 s2, s18  }
0x6: {  	[smem:$0x3FC1] =	sst s2  }
0x7: {  	_ = 	snop  }
0x8: {  	s2 =	sld [smem:$0x3FD0];
	(tm) =	ssettm $0x1  }
0x9: {  	s19 =	sld [smem:$0x3FFB];
	_ =	sdelay $0x3  }
0xa: {  	_ =	strace s19  }
0xb: {  	s3 =	sld [smem:$0x3FFC];
	_ =	sdelay $0x3  }
0xc: {  	_ =	strace s3  }
0xd: {  	s3 =	sld [smem:$0x3FFD];
	_ =	sdelay $0x3  }
0xe: {  	_ =	strace s3  }
0xf: {  	_ =	strace $0x8FFFFFFF  }
0x10: {  	s20 =	sld [smem:$0x3FDB];
	_ =	sdelay $0x1  }
0x11: {  	s4 =	simm.s32 $_scs_section_size  }
0x12: {  	s5 =	simm.s32 $_size__tile_overlayer_lowered;
	s6 =	simm.s32 $_tile_overlayer_lowered  }
0x13: {  	s23 =	simm.s32 $0x1BFF;
	s22 =	sshll.u32 s6, $0x1;
	s3 =	sadd.s32 s4, s20  }
0x14: {  	s7 =	simm.s32 $0x0;
	s21 =	sshll.u32 s5, $0x1;
	s5 =	sadd.s32 s22, s3  }
0x15: {  	[timem:s7], [sflag:s23] =	dma.local [hbm:s5], s21  }
0x16: {  	_ =	swait.ge [sflag:s23], s21  }
0x17: {  	s4 =	ssub.s32 $0x0, s21;
	[sflag:s23] =	ssyncset.done $0x0  }
0x18: {  	[sflag:s23] =	ssyncadd.s32 s4;
	_ =	sdelay $0x1  }
0x19: {  	s24 =	simm.s32 $0x1B8B  }
0x1a: {  	_ =	swait.ge [sflag:s24], $0x1  }
0x1b: {  	[sflag:s24] =	ssyncset.done $0x0  }
0x1c: {  	s26 =	simm.s32 $0x1B8E;
	s25 =	sld [smem:$0x3FFE];
	[sflag:s24] =	ssyncadd.s32 $0xFFFFFFFF  }
0x1d: {  	s27 =	simm.s32 $execute0_lowered;
	[smem:$0x3FD2] =	sst s26  }
0x1e: {  	s5 =	sshll.u32 s27, $0x1;
	_ =	strace $0x8000004F;
	[dreg:$0x1] =	wrdreg $0xFFFFFFFF  }
0x1f: {  	s28 =	simm.s32 $_size_execute0_lowered;
	s3 =	sadd.s32 s3, s5;
	[dreg:$0x0] =	wrdreg $0x0  }
0x20: {  	s5 =	sshll.u32 s28, $0x1;
	[dreg:$0x2] =	wrdreg s3  }
0x21: {  	[dreg:$0x3] =	wrdreg s5  }
0x22: {  	[dreg:$0x4] =	wrdreg $0xC0  }
0x23: {  	_ =	task [dreg:s7], $0x5FFFF  }
0x24: {  	[dreg:$0x1] =	wrdreg $0xFFFFFFFF  }
0x25: {  	[dreg:$0x0] =	wrdreg $0x60  }
0x26: {  	[dreg:$0x2] =	wrdreg s2  }
0x27: {  	[dreg:$0x3] =	wrdreg s25  }
0x28: {  	[dreg:$0x4] =	wrdreg $0x9  }
0x29: {  	_ =	task.clear_ibuf [dreg:s7], $0x5FFFF;
	_ =	strace $0x9000004F  }
0x2a: {  	s29 =	simm.s32 $0x9;
	_ =	strace $0x80000051  }
0x2b: {  	_ =	swait.ge [sflag:s29], $0x1  }
0x2c: {  	[sflag:s29] =	ssyncadd.s32 $0xFFFFFFFF  }
0x2d: {  	_ =	strace $0x90000051  }
0x2e: {  	_ =	sfence  }
0x2f: {  	s30 =	sld [smem:$0x0];
	_ =	sdelay $0x2  }
0x30: {  	s31 =	sshll.u32 s1, $0xD;
	s1 =	sshrl.u32 s1, $0x2  }
0x31: {  	s3 =	sand.u32 $0x4000, s31;
	s1 =	sadd.s32 s1, s30  }
0x32: {  	s0 =	sor.u32 s3, s0;
	s1 =	sshll.u32 s1, $0x11  }
0x33: {  	s0 =	sor.u32 s1, s0  }
0x34: {  	s0 =	sadd.s32 $0x8F2B, s0  }
0x35: {  	[sflag:s0] =	ssyncadd.remote.s32 $0x1  }
0x36: {  	_ =	sfence.sel $0xFFFF  }
0x37: {  	[dreg:$0x0] =	wrdreg $0xFFFFFFFF;
	(pc) =	sbr.abs _section_cstart, $3  }
0x38: {  	[dreg:$0x1] =	wrdreg $0xFFFFFFFF  }
0x39: {  	_ =	task.clear_ibuf [dreg:s7], $0x2FFFF;
	_ =	strace $0x9FFFFFFF  }
0x3a: {  	(tm) =	ssettm $0x7FFFFFFF  }
0x3b: {  	_ =	shalt  }
tec
execute0_lowered:
.L_overlay_start_1:
0x0: {  	(tag) =	ssettag $0x1  }
0x1: {  	s0 =	stileid.u32;
	s2 =	rddreg [dreg:$0x0]  }
0x2: {  	s1 =	srdreg.scid;
	s8 =	rddreg [dreg:$0x1]  }
0x3: {  	s31 =	simm.s32 $0x2;
	s15 =	simm.s32 $0x0;
	s11 =	simm.s32 $0x11000  }
0x4: {  	s14 =	simm.s32 $0x0;
	s3 =	sshll.u32 s0, $0x6;
	s1 =	sshll.u32 s1, $0xA  }
0x5: {  	s13 =	simm.s32 $0x0;
	s4 =	sshll.u32 s0, $0x7;
	s5 =	sor.u32 s3, s1  }
0x6: {  	s1 =	rddreg [dreg:$0x2];
	s3 =	sand.u32 $0x80, s4;
	s4 =	sand.u32 $0x780, s5  }
0x7: {  	_ =	strace $0x80000050;
	s6 =	ssub.s32 $0x2200, s3;
	s7 =	ssub.s32 $0x800, s4  }
0x8: {  	s9 =	sshrl.u32 s6, $0x8;
	s6 =	sshrl.u32 s6, $0x7;
	s10 =	sand.u32 $0x780, s7  }
0x9: {  	s6 =	sand.u32 $0x1, s6;
	p0 =	sne.s32 s10, $0x0;
	s10 =	simm.s32 $0x1  }
.Ltmp0:
0xa: {  	s7 =	sshrl.u32 s7, $0xB;
	s10 =	simm.s32 @!p0 $0x0;
	(pc) =	sbr.rel .LBB1_1-.Ltmp0, $4  }
0xb: {  	s5 =	simm.s32 $0x1;
	s6 =	sadd.s32 s9, s6;
	s7 =	sadd.s32 s10, s7  }
0xc: {  	s8 =	sadd.s32 $0x2C00, s8;
	[sflag:s5] =	ssyncpa.u1 $0x0;
	s6 =	smul.u32 s6, s7  }
0xd: {  	s12 =	smov.u32 s3;
	[sflag:s31] =	ssyncpa.u1 $0x0;
	s7 =	sshll.u32 s4, $0x3  }
0xe: {  	p0 =	por $0x0, $0x0;
	s9 =	sand.u32 $0x400, s7;
	s10 =	sadd.s32 $0x1, s6  }
.LBB1_4:
0xf: {  	s15 =	sshrl.u32 s15, $0x3  }
0x10: {  	s21 =	sshll.u32 s14, $0x3;
	s15 =	smul.u32 $0x11000, s15  }
0x11: {  	v5 =	vld [tilespmem:s19+$0xFFFFFFD0];
	[tilespmem:s18+$0x2040 ss:$0x81] =	vst.msk $0xffff, v4;
	s21 =	sand.u32 $0xFFFFFC00, s21  }
0x12: {  	v58 =	vld [tilespmem:s19+$0xFFFFFFE0];
	[tilespmem:s18+$0x2850 ss:$0x81] =	vst.msk $0xffff, v3;
	s30 =	sand.u32 $0x7F, s14;
	s15 =	sadd.s32 s21, s15  }
0x13: {  	s20 =	sshra.s32 s20, $0x2;
	v59 =	vld [tilespmem:s19+$0xFFFFFFF0];
	[tilespmem:s18+$0x3060 ss:$0x81] =	vst.msk $0xffff, v2;
	s14 =	sor.u32 s30, s15  }
0x14: {  	v60 =	vld [tilespmem:s19+$0x0];
	[tilespmem:s18+$0x0 ss:$0x81] =	vst.msk $0xffff, v0;
	s17 =	sadd.s32 s20, s17;
	s31 =	smulhi.u32 $0xF0F0F0F1, s14  }
0x15: {  	v61 =	vld [tilespmem:s19+$0x10];
	[tilespmem:s17+$0x3870 ss:$0x81] =	vst.msk $0xffff, v1  }
0x16: {  	v62 =	vld [tilespmem:s19+$0x20];
	s15 =	smulhi.u32 $0xF0F0F0F1, s15;
	[tilespmem:s17+$0x810 ss:$0x81] =	vst.msk $0xffff, v5;
	s18 =	sshrl.u32 s31, $0xD  }
0x17: {  	v63 =	vld [tilespmem:s19+$0xFFFFFFC0];
	[tilespmem:s17+$0x1020 ss:$0x81] =	vst.msk $0xffff, v58;
	s18 =	smul.u32 $0x2200, s18  }
0x18: {  	[tilespmem:s17+$0x1830 ss:$0x81] =	vst.msk $0xffff, v59;
	s15 =	sshrl.u32 s15, $0xD  }
0x19: {  	[tilespmem:s17+$0x2040 ss:$0x81] =	vst.msk $0xffff, v60;
	s15 =	sand.u32 $0x7FF, s15;
	s14 =	ssub.s32 s14, s18  }
0x1a: {  	[tilespmem:s17+$0x2850 ss:$0x81] =	vst.msk $0xffff, v61;
	s15 =	smul.u32 $0x440, s15;
	s18 =	sshrl.u32 s14, $0x3;
	s14 =	sand.u32 $0x7, s14  }
0x1b: {  	[tilespmem:s17+$0x3060 ss:$0x81] =	vst.msk $0xffff, v62;
	s18 =	sadd.s32 s8, s18;
	s14 =	sshll.u32 s14, $0x12  }
0x1c: {  	[tilespmem:s17+$0x0 ss:$0x81] =	vst.msk $0xffff, v63;
	s15 =	sadd.s32 s15, s18;
	s14 =	sor.u32 $0x400, s14  }
0x1d: {  	[hbm4b:s15+s14] =	stream.strided.scatter [tilespmem:s16], [sflag:$0x2], $0x4000, s11, s14, $0x20;
	[tilespmem:$0x10100] =	vst v63  }
.LBB1_5:
0x1e: {  	s16 =	sadd.s32 $0x100, s12  }
0x1f: {  	p2 =	sgt.s32 s16, $0x21FF  }
0x20: {  	s16 =	smov.u32 @p2 s3;
	p2 =	sne.s32 s13, s10  }
.Ltmp1:
0x21: {  	p1 =	slt.u32 s13, $0x2;
	(pc) =	sbr.rel @!p2 .LBB1_6-.Ltmp1, $4  }
0x22: {  	s15 =	simm.s32 @!p1 $0x2  }
0x23: {  	s17 =	sadd.s32 $0x1, s13;
	s14 =	smov.u32 s12;
	_ =	swait.ge @!p1 [sflag:s15], $0x4000  }
0x24: {  	p0 =	por !p0, !p0;
	s13 =	smov.u32 s17;
	[sflag:s15] =	ssyncset.done @!p1 $0x0  }
0x25: {  	s12 =	smov.u32 s16;
	[sflag:s15] =	ssyncadd.s32 @!p1 $0xFFFFC000;
	s15 =	smov.u32 s4  }
.LBB1_1:
0x26: {  	p1 =	sge.u32 s13, s6  }
0x27: {  	s16 =	sshll.u32 @!p1 s12, $0xB  }
0x28: {  	s16 =	sand.u32 @!p1 $0xFFFFC000, s16  }
0x29: {  	s16 =	sor.u32 @!p1 s7, s16  }
0x2a: {  	s16 =	sshrl.u32 @!p1 s16, $0xB  }
0x2b: {  	s17 =	smulhi.u32 @!p1 $0x1E1E1F, s16;
	_ =	sdelay $0x1  }
0x2c: {  	s18 =	sshll.u32 @!p1 s12, $0x7;
	s17 =	sshrl.u32 @!p1 s17, $0x2  }
0x2d: {  	s18 =	sand.u32 @!p1 $0x380, s18;
	s17 =	smul.u32 @!p1 $0x2200, s17  }
0x2e: {  	s31 =	sadd.s32 $0xFFFFFFFF, s13;
	s19 =	sxor.u32 @!p1 $0xFFFFFFFF, s13;
	s18 =	sor.u32 @!p1 s9, s18  }
0x2f: {  	s19 =	sshll.u32 @!p1 s19, $0xE;
	s16 =	ssub.s32 @!p1 s16, s17;
	s17 =	sshrl.u32 @!p1 s18, $0x3  }
0x30: {  	s18 =	sand.u32 @!p1 $0x4000, s19;
	s16 =	sshll.u32 @!p1 s16, $0x8;
	s17 =	sadd.s32 @!p1 s2, s17  }
0x31: {  	s19 =	simm.s32 @!p1 $0x4000;
	s16 =	sadd.s32 @!p1 s16, s17;
	s17 =	simm.s32 @!p1 $0x400  }
0x32: {  	[tilespmem:s18], [sflag:$0x1] =	stream.strided.gather @!p1 [hbm4b:s16+s17], $0x4000, s19, s17, $0x38;
	[tilespmem:$0x10100] =	vst v63  }
0x33: {  	p1 =	sge.u32 s31, s6  }
.Ltmp2:
0x34: {  	_ = 	snop;
	(pc) =	sbr.rel @p1 .LBB1_5-.Ltmp2, $1  }
0x35: {  	_ =	sdelay $0x3  }
0x36: {  	s16 =	simm.s32 $0x1  }
0x37: {  	_ =	swait.ge [sflag:s5], $0x4000;
	s16 =	simm.s32 @!p0 $0x0  }
0x38: {  	[sflag:s5] =	ssyncset.done $0x0;
	s17 =	sshll.u32 s16, $0xE  }
0x39: {  	[sflag:s5] =	ssyncadd.s32 $0xFFFFC000;
	s19 =	sor.u32 $0x40, s17  }
0x3a: {  	s16 =	smul.u32 $0x10200, s16;
	v0 =	vld [tilespmem:s19+$0x30]  }
0x3b: {  	v1 =	vld [tilespmem:s19+$0xFFFFFFD0]  }
0x3c: {  	s16 =	sshrl.u32 s16, $0x2;
	v5 =	vld [tilespmem:s19+$0xFFFFFFE0]  }
0x3d: {  	v6 =	vld [tilespmem:s19+$0xFFFFFFF0];
	s17 =	sor.u32 $0x8000, s16  }
0x3e: {  	s31 =	sand.u32 $0x1, s13;
	v4 =	vld [tilespmem:s19+$0x0];
	s18 =	sadd.s32 $0x0, s17  }
0x3f: {  	v3 =	vld [tilespmem:s19+$0x10];
	s16 =	smul.u32 $0x10200, s31;
	[tilespmem:s18+$0x3870 ss:$0x81] =	vst.msk $0xffff, v0  }
0x40: {  	v2 =	vld [tilespmem:s19+$0x20];
	[tilespmem:s18+$0x810 ss:$0x81] =	vst.msk $0xffff, v1  }
0x41: {  	s16 =	sshrl.u32 s16, $0x2;
	v0 =	vld [tilespmem:s19+$0xFFFFFFC0];
	[tilespmem:s18+$0x1020 ss:$0x81] =	vst.msk $0xffff, v5;
	s19 =	sadd.s32 $0x80, s19  }
0x42: {  	s20 =	simm.s32 $0x4;
	s21 =	simm.s32 $0x8;
	s16 =	sor.u32 $0x8000, s16;
	[tilespmem:s18+$0x1830 ss:$0x81] =	vst.msk $0xffff, v6;
	v1 =	vld [tilespmem:s19+$0x30]  }
.LBB1_3:
0x43: {  	p1 =	sne.s32 s21, $0x1FC;
	v5 =	vld [tilespmem:s19+$0xFFFFFFD0];
	[tilespmem:s18+$0x2040 ss:$0x81] =	vst.msk $0xffff, v4  }
0x44: {  	v6 =	vld [tilespmem:s19+$0xFFFFFFE0];
	[tilespmem:s18+$0x2850 ss:$0x81] =	vst.msk $0xffff, v3  }
0x45: {  	s22 =	sshra.s32 s20, $0x2;
	s20 =	smov.u32 s21;
	v7 =	vld [tilespmem:s19+$0xFFFFFFF0];
	[tilespmem:s18+$0x3060 ss:$0x81] =	vst.msk $0xffff, v2  }
.Ltmp3:
0x46: {  	v4 =	vld [tilespmem:s19+$0x0];
	[tilespmem:s18+$0x0 ss:$0x81] =	vst.msk $0xffff, v0;
	s18 =	sadd.s32 s22, s17;
	(pc) =	sbr.rel @p1 .LBB1_3-.Ltmp3, $4  }
0x47: {  	v3 =	vld [tilespmem:s19+$0x10];
	[tilespmem:s18+$0x3870 ss:$0x81] =	vst.msk $0xffff, v1  }
0x48: {  	[tilespmem:s18+$0x810 ss:$0x81] =	vst.msk $0xffff, v5;
	v2 =	vld [tilespmem:s19+$0x20]  }
0x49: {  	v0 =	vld [tilespmem:s19+$0xFFFFFFC0];
	[tilespmem:s18+$0x1020 ss:$0x81] =	vst.msk $0xffff, v6;
	s19 =	sadd.s32 $0x80, s19  }
0x4a: {  	s21 =	sadd.s32 $0x4, s21;
	v1 =	vld [tilespmem:s19+$0x30];
	[tilespmem:s18+$0x1830 ss:$0x81] =	vst.msk $0xffff, v7  }
.Ltmp4:
0x4b: {  	_ = 	snop;
	(pc) =	sbr.rel .LBB1_4-.Ltmp4, $1  }
0x4c: {  	_ =	sdelay $0x3  }
.LBB1_6:
0x4d: {  	_ =	sfence.sel $0x180000  }
0x4e: {  	s2 =	simm.s32 $0x1;
	[bflag:$0x0] =	sbarrier.arrive $0xFFFF  }
0x4f: {  	s31 =	simm.s32 $0x2;
	[sflag:s2] =	ssyncpa.u1 $0x1  }
0x50: {  	[sflag:s31] =	ssyncpa.u1 $0x1  }
0x51: {  	p0 =	sne.s32 s0, $0x0;
	_ =	strace $0x90000050  }
0x52: {  	s0 =	sadd.s32 @!p0 $0x100000, s1;
	[bflag:$0x2] =	sbarrier.arrive $0xFFFF  }
0x53: {  	[sflag:s0] =	ssyncadd.tile.s32 @!p0 $0x1;
	_ =	shalt  }
.Lfunc_end1:
_tile_overlayer_lowered:
.L_overlay_start_2:
0x54: {  	(tag) =	ssettag $0x2  }
0x55: {  	s0 =	rddreg [dreg:$0x0];
	s2 =	stileid.u32  }
0x56: {  	s1 =	rddreg [dreg:$0x1];
	p0 =	sne.s32 s2, $0x0  }
0x57: {  	s3 =	rddreg [dreg:$0x2];
	[bflag:$0x3] =	sbarrier.arrive $0xFFFF;
	s2 =	simm.s32 @!p0 $0x1C01  }
0x58: {  	[timem:s3], [sflag:s2] =	dma.local @!p0 [hbm:s0], s1  }
0x59: {  	s0 =	simm.s32 @!p0 $0x1  }
0x5a: {  	_ =	swait.ge @!p0 [sflag:s0], s1  }
0x5b: {  	s1 =	ssub.s32 @!p0 $0x0, s1;
	[sflag:s0] =	ssyncset.done @!p0 $0x0  }
0x5c: {  	[sflag:s0] =	ssyncadd.s32 @!p0 s1  }
0x5d: {  	[bflag:$0x3] =	sbarrier.arrive $0xFFFF  }
0x5e: {  	_ =	shalt  }

// kernel: sparse-core-data-format-call.2.cloned.1.call-start
scs
called_computation.2_lowered:
.L_overlay_start_0:
0x0: {  	s1 =	sld [smem:$0x3FD9]  }
0x1: {  	s2 =	sld [smem:$0x3FFE];
	_ =	sdelay $0x1  }
0x2: {  	s3 =	srdreg.scid  }
0x3: {  	s0 =	sand.u32 $0x1, s3  }
0x4: {  	s17 =	sshll.u32 s0, $0xA;
	s1 =	sadd.s32 s2, s1  }
0x5: {  	s1 =	sadd.s32 s1, s17  }
0x6: {  	[smem:$0x3FC1] =	sst s1  }
0x7: {  	_ = 	snop  }
0x8: {  	(tm) =	ssettm $0x1  }
0x9: {  	s18 =	sld [smem:$0x3FFB];
	_ =	sdelay $0x3  }
0xa: {  	_ =	strace s18  }
0xb: {  	s1 =	sld [smem:$0x3FFC];
	_ =	sdelay $0x3  }
0xc: {  	_ =	strace s1  }
0xd: {  	s1 =	sld [smem:$0x3FFD];
	_ =	sdelay $0x3  }
0xe: {  	_ =	strace s1  }
0xf: {  	_ =	strace $0x8FFFFFFF  }
0x10: {  	s19 =	sld [smem:$0x3FDB];
	_ =	sdelay $0x1  }
0x11: {  	s20 =	simm.s32 $_scs_section_size  }
0x12: {  	s4 =	simm.s32 $_size__tile_overlayer_lowered;
	s5 =	simm.s32 $_tile_overlayer_lowered  }
0x13: {  	s23 =	simm.s32 $0x1BFF;
	s22 =	sshll.u32 s5, $0x1;
	s1 =	sadd.s32 s20, s19  }
0x14: {  	s6 =	simm.s32 $0x0;
	s21 =	sshll.u32 s4, $0x1;
	s4 =	sadd.s32 s22, s1  }
0x15: {  	[timem:s6], [sflag:s23] =	dma.local [hbm:s4], s21  }
0x16: {  	_ =	swait.ge [sflag:s23], s21  }
0x17: {  	s2 =	ssub.s32 $0x0, s21;
	[sflag:s23] =	ssyncset.done $0x0  }
0x18: {  	[sflag:s23] =	ssyncadd.s32 s2;
	_ =	sdelay $0x1  }
0x19: {  	s24 =	simm.s32 $0x1B8B  }
0x1a: {  	_ =	swait.ge [sflag:s24], $0x1  }
0x1b: {  	[sflag:s24] =	ssyncset.done $0x0  }
0x1c: {  	s26 =	simm.s32 $0x1B8E;
	s25 =	sld [smem:$0x3FFE];
	[sflag:s24] =	ssyncadd.s32 $0xFFFFFFFF  }
0x1d: {  	s27 =	simm.s32 $execute0_lowered;
	[smem:$0x3FD2] =	sst s26  }
0x1e: {  	s4 =	sshll.u32 s27, $0x1;
	_ =	strace $0x80000046;
	[dreg:$0x1] =	wrdreg $0xFFFFFFFF  }
0x1f: {  	s28 =	simm.s32 $_size_execute0_lowered;
	s1 =	sadd.s32 s1, s4;
	[dreg:$0x0] =	wrdreg $0x0  }
0x20: {  	s4 =	sshll.u32 s28, $0x1;
	[dreg:$0x2] =	wrdreg s1  }
0x21: {  	[dreg:$0x3] =	wrdreg s4  }
0x22: {  	[dreg:$0x4] =	wrdreg $0xC0  }
0x23: {  	_ =	task [dreg:s6], $0x5FFFF  }
0x24: {  	[dreg:$0x1] =	wrdreg $0xFFFFFFFF  }
0x25: {  	[dreg:$0x0] =	wrdreg $0x60  }
0x26: {  	[dreg:$0x2] =	wrdreg s25  }
0x27: {  	[dreg:$0x3] =	wrdreg $0x9  }
0x28: {  	_ =	task.clear_ibuf [dreg:s6], $0x4FFFF;
	_ =	strace $0x90000046  }
0x29: {  	s29 =	simm.s32 $0x9;
	_ =	strace $0x80000048  }
0x2a: {  	_ =	swait.ge [sflag:s29], $0x1  }
0x2b: {  	[sflag:s29] =	ssyncadd.s32 $0xFFFFFFFF  }
0x2c: {  	_ =	strace $0x90000048  }
0x2d: {  	_ =	sfence  }
0x2e: {  	s30 =	sld [smem:$0x0];
	_ =	sdelay $0x2  }
0x2f: {  	s31 =	sshll.u32 s3, $0xD;
	s3 =	sshrl.u32 s3, $0x2  }
0x30: {  	s2 =	sand.u32 $0x4000, s31;
	s1 =	sadd.s32 s3, s30  }
0x31: {  	s0 =	sor.u32 s2, s0;
	s1 =	sshll.u32 s1, $0x11  }
0x32: {  	s0 =	sor.u32 s1, s0  }
0x33: {  	s0 =	sadd.s32 $0x8F2B, s0  }
0x34: {  	[sflag:s0] =	ssyncadd.remote.s32 $0x1  }
0x35: {  	_ =	sfence.sel $0xFFFF  }
0x36: {  	[dreg:$0x0] =	wrdreg $0xFFFFFFFF;
	(pc) =	sbr.abs _section_cstart, $3  }
0x37: {  	[dreg:$0x1] =	wrdreg $0xFFFFFFFF  }
0x38: {  	_ =	task.clear_ibuf [dreg:s6], $0x2FFFF;
	_ =	strace $0x9FFFFFFF  }
0x39: {  	(tm) =	ssettm $0x7FFFFFFF  }
tec
execute0_lowered:
.L_overlay_start_1:
0x0: {  	(tag) =	ssettag $0x1  }
0x1: {  	s7 =	rddreg [dreg:$0x0]  }
0x2: {  	s1 =	stileid.u32;
	s3 =	srdreg.scid  }
0x3: {  	s0 =	rddreg [dreg:$0x1];
	_ =	strace $0x80000047;
	s8 =	simm.s32 $0x1  }
0x4: {  	s31 =	simm.s32 $0x2;
	s14 =	simm.s32 $0x0;
	s13 =	simm.s32 $0x0  }
0x5: {  	s12 =	simm.s32 $0x0;
	s2 =	sshll.u32 s1, $0x7;
	s3 =	sshll.u32 s3, $0x7  }
0x6: {  	s3 =	sand.u32 $0x80, s3;
	s4 =	ssub.s32 $0x800, s2;
	s11 =	smov.u32 s2  }
0x7: {  	s5 =	sshrl.u32 s4, $0xB;
	s4 =	sand.u32 $0x780, s4;
	s6 =	ssub.s32 $0x2000, s3  }
0x8: {  	p0 =	sne.s32 s4, $0x0;
	s30 =	sshrl.u32 s6, $0x7;
	s6 =	sshrl.u32 s6, $0x8  }
.Ltmp0:
0x9: {  	s8 =	simm.s32 @!p0 $0x0;
	s9 =	sand.u32 $0x1, s30;
	(pc) =	sbr.rel .LBB1_1-.Ltmp0, $4  }
0xa: {  	s4 =	simm.s32 $0x1;
	s5 =	sadd.s32 s8, s5;
	s6 =	sadd.s32 s6, s9  }
0xb: {  	s10 =	smov.u32 s3;
	[sflag:s4] =	ssyncpa.u1 $0x0;
	s5 =	smul.u32 s5, s6  }
0xc: {  	p0 =	por $0x0, $0x0;
	[sflag:s31] =	ssyncpa.u1 $0x0;
	s9 =	simm.s32 $0x4000  }
0xd: {  	s6 =	sadd.s32 $0x201C00, s7;
	s7 =	sadd.s32 $0x401C00, s7;
	s8 =	sadd.s32 $0x1, s5  }
.LBB1_4:
0xe: {  	v5 =	vld [tilespmem:s17+$0xFFFFFFD0]  }
0xf: {  	[tilespmem:s18+$0x2040 ss:$0x81] =	vst.msk $0xffff, v1;
	v58 =	vld [tilespmem:s17+$0xFFFFFFE0]  }
0x10: {  	[tilespmem:s18+$0x2850 ss:$0x81] =	vst.msk $0xffff, v2;
	v59 =	vld [tilespmem:s17+$0xFFFFFFF0]  }
0x11: {  	s19 =	sshra.s32 s19, $0x2;
	[tilespmem:s18+$0x3060 ss:$0x81] =	vst.msk $0xffff, v3;
	v60 =	vld [tilespmem:s17+$0x0]  }
0x12: {  	[tilespmem:s18+$0x0 ss:$0x81] =	vst.msk $0xffff, v0;
	v61 =	vld [tilespmem:s17+$0x10];
	s16 =	sadd.s32 s19, s16  }
0x13: {  	s26 =	sshll.u32 s14, $0xB;
	v62 =	vld [tilespmem:s17+$0x20];
	[tilespmem:s16+$0x3870 ss:$0x81] =	vst.msk $0xffff, v4  }
0x14: {  	s27 =	sand.u32 $0x78, s13;
	s20 =	sshll.u32 s13, $0x3;
	v63 =	vld [tilespmem:s17+$0xFFFFFFC0];
	s29 =	sshll.u32 s14, $0x7;
	[tilespmem:s16+$0x810 ss:$0x81] =	vst.msk $0xffff, v5  }
0x15: {  	s18 =	sand.u32 $0xFFC000, s26;
	s28 =	sand.u32 $0xFFFC00, s20;
	s20 =	sand.u32 $0x400, s20;
	[tilespmem:s16+$0x1020 ss:$0x81] =	vst.msk $0xffff, v58  }
0x16: {  	s14 =	sand.u32 $0x380, s29;
	s17 =	sadd.s32 s28, s18;
	s30 =	sor.u32 s27, s20;
	[tilespmem:s16+$0x1830 ss:$0x81] =	vst.msk $0xffff, v59  }
0x17: {  	s17 =	sand.u32 $0xFFF800, s17;
	s14 =	sor.u32 s14, s30;
	[tilespmem:s16+$0x2040 ss:$0x81] =	vst.msk $0xffff, v60  }
0x18: {  	s31 =	sand.u32 $0x7, s13;
	s14 =	sor.u32 s17, s14;
	[tilespmem:s16+$0x2850 ss:$0x81] =	vst.msk $0xffff, v61  }
0x19: {  	s13 =	sshll.u32 s31, $0x12;
	[tilespmem:s16+$0x3060 ss:$0x81] =	vst.msk $0xffff, v62;
	s14 =	sshrl.u32 s14, $0x3  }
0x1a: {  	s13 =	sor.u32 $0x400, s13;
	[tilespmem:s16+$0x0 ss:$0x81] =	vst.msk $0xffff, v63;
	s14 =	sadd.s32 s7, s14  }
0x1b: {  	[hbm4b:s14+s13] =	stream.strided.scatter [tilespmem:s15], [sflag:$0x2], $0x4000, s9, s13, $0x20;
	[tilespmem:$0x10100] =	vst v63  }
.LBB1_5:
0x1c: {  	s15 =	sadd.s32 $0x100, s10  }
0x1d: {  	s13 =	sadd.s32 $0x800, s11;
	s17 =	smov.u32 s11;
	p2 =	sgt.s32 s15, $0x1FFF  }
0x1e: {  	s17 =	smov.u32 @p2 s13  }
0x1f: {  	s15 =	smov.u32 @p2 s3;
	p2 =	sgt.s32 s17, $0x7FF  }
0x20: {  	s17 =	smov.u32 @p2 s2;
	p2 =	sne.s32 s12, s8  }
.Ltmp1:
0x21: {  	p1 =	slt.u32 s12, $0x2;
	(pc) =	sbr.rel @!p2 .LBB1_6-.Ltmp1, $4  }
0x22: {  	s16 =	simm.s32 @!p1 $0x2  }
0x23: {  	s14 =	smov.u32 s10;
	p0 =	por !p0, !p0;
	_ =	swait.ge @!p1 [sflag:s16], $0x4000  }
0x24: {  	s13 =	smov.u32 s11;
	[sflag:s16] =	ssyncset.done @!p1 $0x0;
	s10 =	smov.u32 s15  }
0x25: {  	s12 =	sadd.s32 $0x1, s12;
	[sflag:s16] =	ssyncadd.s32 @!p1 $0xFFFFC000;
	s11 =	smov.u32 s17  }
.LBB1_1:
0x26: {  	p1 =	sge.u32 s12, s5;
	s31 =	sadd.s32 $0xFFFFFFFF, s12  }
0x27: {  	s15 =	sand.u32 @!p1 $0x78, s10;
	s16 =	sshll.u32 @!p1 s11, $0xD;
	s17 =	sshll.u32 @!p1 s11, $0x7  }
0x28: {  	s18 =	sshll.u32 @!p1 s10, $0x3;
	s16 =	sand.u32 @!p1 $0xFF0000, s16;
	s17 =	sand.u32 @!p1 $0x380, s17  }
0x29: {  	s16 =	sadd.s32 @!p1 s16, s18;
	s18 =	sand.u32 @!p1 $0x1C00, s18;
	s15 =	sor.u32 @!p1 s17, s15  }
0x2a: {  	s17 =	sxor.u32 @!p1 $0xFFFFFFFF, s12;
	s16 =	sand.u32 @!p1 $0xFFE000, s16;
	s15 =	sor.u32 @!p1 s18, s15  }
0x2b: {  	s17 =	sshll.u32 @!p1 s17, $0xE;
	s15 =	sor.u32 @!p1 s16, s15;
	s16 =	sand.u32 @!p1 $0x7, s10  }
0x2c: {  	s18 =	simm.s32 @!p1 $0x10000;
	s15 =	sshrl.u32 @!p1 s15, $0x3;
	s16 =	sshll.u32 @!p1 s16, $0x12  }
0x2d: {  	s17 =	sand.u32 @!p1 $0x4000, s17;
	s15 =	sadd.s32 @!p1 s6, s15;
	s16 =	sor.u32 @!p1 $0x400, s16  }
0x2e: {  	[tilespmem:s17], [sflag:$0x1] =	stream.strided.gather @!p1 [hbm4b:s15+s16], $0x4000, s18, s16, $0x38;
	[tilespmem:$0x10100] =	vst v63  }
0x2f: {  	p1 =	sge.u32 s31, s5  }
.Ltmp2:
0x30: {  	_ = 	snop;
	(pc) =	sbr.rel @p1 .LBB1_5-.Ltmp2, $1  }
0x31: {  	_ =	sdelay $0x3  }
0x32: {  	s15 =	simm.s32 $0x1  }
0x33: {  	_ =	swait.ge [sflag:s4], $0x4000;
	s15 =	simm.s32 @!p0 $0x0  }
0x34: {  	[sflag:s4] =	ssyncset.done $0x0;
	s16 =	sshll.u32 s15, $0xE  }
0x35: {  	[sflag:s4] =	ssyncadd.s32 $0xFFFFC000;
	s17 =	sor.u32 $0x40, s16  }
0x36: {  	s15 =	smul.u32 $0x10200, s15;
	v0 =	vld [tilespmem:s17+$0x30]  }
0x37: {  	v3 =	vld [tilespmem:s17+$0xFFFFFFD0]  }
0x38: {  	s15 =	sshrl.u32 s15, $0x2;
	v4 =	vld [tilespmem:s17+$0xFFFFFFE0]  }
0x39: {  	v5 =	vld [tilespmem:s17+$0xFFFFFFF0];
	s16 =	sor.u32 $0x8000, s15  }
0x3a: {  	s31 =	sand.u32 $0x1, s12;
	v1 =	vld [tilespmem:s17+$0x0];
	s18 =	sadd.s32 $0x0, s16  }
0x3b: {  	v2 =	vld [tilespmem:s17+$0x10];
	s15 =	smul.u32 $0x10200, s31;
	[tilespmem:s18+$0x3870 ss:$0x81] =	vst.msk $0xffff, v0  }
0x3c: {  	[tilespmem:s18+$0x810 ss:$0x81] =	vst.msk $0xffff, v3;
	v3 =	vld [tilespmem:s17+$0x20]  }
0x3d: {  	s15 =	sshrl.u32 s15, $0x2;
	v0 =	vld [tilespmem:s17+$0xFFFFFFC0];
	[tilespmem:s18+$0x1020 ss:$0x81] =	vst.msk $0xffff, v4;
	s17 =	sadd.s32 $0x80, s17  }
0x3e: {  	s19 =	simm.s32 $0x4;
	s20 =	simm.s32 $0x8;
	s15 =	sor.u32 $0x8000, s15;
	[tilespmem:s18+$0x1830 ss:$0x81] =	vst.msk $0xffff, v5;
	v4 =	vld [tilespmem:s17+$0x30]  }
.LBB1_3:
0x3f: {  	p1 =	sne.s32 s20, $0x1FC;
	v5 =	vld [tilespmem:s17+$0xFFFFFFD0];
	[tilespmem:s18+$0x2040 ss:$0x81] =	vst.msk $0xffff, v1  }
0x40: {  	v6 =	vld [tilespmem:s17+$0xFFFFFFE0];
	[tilespmem:s18+$0x2850 ss:$0x81] =	vst.msk $0xffff, v2  }
0x41: {  	s21 =	sshra.s32 s19, $0x2;
	s19 =	smov.u32 s20;
	v7 =	vld [tilespmem:s17+$0xFFFFFFF0];
	[tilespmem:s18+$0x3060 ss:$0x81] =	vst.msk $0xffff, v3  }
.Ltmp3:
0x42: {  	v1 =	vld [tilespmem:s17+$0x0];
	[tilespmem:s18+$0x0 ss:$0x81] =	vst.msk $0xffff, v0;
	s18 =	sadd.s32 s21, s16;
	(pc) =	sbr.rel @p1 .LBB1_3-.Ltmp3, $4  }
0x43: {  	v2 =	vld [tilespmem:s17+$0x10];
	[tilespmem:s18+$0x3870 ss:$0x81] =	vst.msk $0xffff, v4  }
0x44: {  	[tilespmem:s18+$0x810 ss:$0x81] =	vst.msk $0xffff, v5;
	v3 =	vld [tilespmem:s17+$0x20]  }
0x45: {  	v0 =	vld [tilespmem:s17+$0xFFFFFFC0];
	[tilespmem:s18+$0x1020 ss:$0x81] =	vst.msk $0xffff, v6;
	s17 =	sadd.s32 $0x80, s17  }
0x46: {  	s20 =	sadd.s32 $0x4, s20;
	v4 =	vld [tilespmem:s17+$0x30];
	[tilespmem:s18+$0x1830 ss:$0x81] =	vst.msk $0xffff, v7  }
.Ltmp4:
0x47: {  	_ = 	snop;
	(pc) =	sbr.rel .LBB1_4-.Ltmp4, $1  }
0x48: {  	_ =	sdelay $0x3  }
.LBB1_6:
0x49: {  	_ =	sfence.sel $0x180000  }
0x4a: {  	s2 =	simm.s32 $0x1;
	[bflag:$0x0] =	sbarrier.arrive $0xFFFF  }
0x4b: {  	s31 =	simm.s32 $0x2;
	[sflag:s2] =	ssyncpa.u1 $0x1  }
0x4c: {  	[sflag:s31] =	ssyncpa.u1 $0x1  }
0x4d: {  	p0 =	sne.s32 s1, $0x0;
	_ =	strace $0x90000047  }
0x4e: {  	s0 =	sadd.s32 @!p0 $0x100000, s0;
	[bflag:$0x2] =	sbarrier.arrive $0xFFFF  }
0x4f: {  	[sflag:s0] =	ssyncadd.tile.s32 @!p0 $0x1;
	_ =	shalt  }
.Lfunc_end1:
_tile_overlayer_lowered:
.L_overlay_start_2:
0x50: {  	(tag) =	ssettag $0x2  }
0x51: {  	s0 =	rddreg [dreg:$0x0];
	s2 =	stileid.u32  }
0x52: {  	s1 =	rddreg [dreg:$0x1];
	p0 =	sne.s32 s2, $0x0  }
0x53: {  	s3 =	rddreg [dreg:$0x2];
	[bflag:$0x3] =	sbarrier.arrive $0xFFFF;
	s2 =	simm.s32 @!p0 $0x1C01  }
0x54: {  	[timem:s3], [sflag:s2] =	dma.local @!p0 [hbm:s0], s1  }
0x55: {  	s0 =	simm.s32 @!p0 $0x1  }
0x56: {  	_ =	swait.ge @!p0 [sflag:s0], s1  }
0x57: {  	s1 =	ssub.s32 @!p0 $0x0, s1;
	[sflag:s0] =	ssyncset.done @!p0 $0x0  }
0x58: {  	[sflag:s0] =	ssyncadd.s32 @!p0 s1  }
0x59: {  	[bflag:$0x3] =	sbarrier.arrive $0xFFFF  }
0x5a: {  	_ =	shalt  }

// kernel: sparse-core-data-format-call.cloned.1.call-start
scs
called_computation_lowered:
.L_overlay_start_0:
0x0: {  	s1 =	sld [smem:$0x3FD9]  }
0x1: {  	s2 =	sld [smem:$0x3FFE];
	_ =	sdelay $0x1  }
0x2: {  	s3 =	srdreg.scid  }
0x3: {  	s0 =	sand.u32 $0x1, s3  }
0x4: {  	s17 =	sshll.u32 s0, $0xA;
	s1 =	sadd.s32 s2, s1  }
0x5: {  	s1 =	sadd.s32 s1, s17  }
0x6: {  	[smem:$0x3FC1] =	sst s1  }
0x7: {  	_ = 	snop  }
0x8: {  	(tm) =	ssettm $0x1  }
0x9: {  	s18 =	sld [smem:$0x3FFB];
	_ =	sdelay $0x3  }
0xa: {  	_ =	strace s18  }
0xb: {  	s1 =	sld [smem:$0x3FFC];
	_ =	sdelay $0x3  }
0xc: {  	_ =	strace s1  }
0xd: {  	s1 =	sld [smem:$0x3FFD];
	_ =	sdelay $0x3  }
0xe: {  	_ =	strace s1  }
0xf: {  	_ =	strace $0x8FFFFFFF  }
0x10: {  	s19 =	sld [smem:$0x3FDB];
	_ =	sdelay $0x1  }
0x11: {  	s20 =	simm.s32 $_scs_section_size  }
0x12: {  	s4 =	simm.s32 $_size__tile_overlayer_lowered;
	s5 =	simm.s32 $_tile_overlayer_lowered  }
0x13: {  	s23 =	simm.s32 $0x1BFF;
	s22 =	sshll.u32 s5, $0x1;
	s1 =	sadd.s32 s20, s19  }
0x14: {  	s6 =	simm.s32 $0x0;
	s21 =	sshll.u32 s4, $0x1;
	s4 =	sadd.s32 s22, s1  }
0x15: {  	[timem:s6], [sflag:s23] =	dma.local [hbm:s4], s21  }
0x16: {  	_ =	swait.ge [sflag:s23], s21  }
0x17: {  	s2 =	ssub.s32 $0x0, s21;
	[sflag:s23] =	ssyncset.done $0x0  }
0x18: {  	[sflag:s23] =	ssyncadd.s32 s2;
	_ =	sdelay $0x1  }
0x19: {  	s24 =	simm.s32 $0x1B8B  }
0x1a: {  	_ =	swait.ge [sflag:s24], $0x1  }
0x1b: {  	[sflag:s24] =	ssyncset.done $0x0  }
0x1c: {  	s26 =	simm.s32 $0x1B8E;
	s25 =	sld [smem:$0x3FFE];
	[sflag:s24] =	ssyncadd.s32 $0xFFFFFFFF  }
0x1d: {  	s27 =	simm.s32 $execute0_lowered;
	[smem:$0x3FD2] =	sst s26  }
0x1e: {  	s4 =	sshll.u32 s27, $0x1;
	_ =	strace $0x80000052;
	[dreg:$0x1] =	wrdreg $0xFFFFFFFF  }
0x1f: {  	s28 =	simm.s32 $_size_execute0_lowered;
	s1 =	sadd.s32 s1, s4;
	[dreg:$0x0] =	wrdreg $0x0  }
0x20: {  	s4 =	sshll.u32 s28, $0x1;
	[dreg:$0x2] =	wrdreg s1  }
0x21: {  	[dreg:$0x3] =	wrdreg s4  }
0x22: {  	[dreg:$0x4] =	wrdreg $0xC0  }
0x23: {  	_ =	task [dreg:s6], $0x5FFFF  }
0x24: {  	[dreg:$0x1] =	wrdreg $0xFFFFFFFF  }
0x25: {  	[dreg:$0x0] =	wrdreg $0x60  }
0x26: {  	[dreg:$0x2] =	wrdreg s25  }
0x27: {  	[dreg:$0x3] =	wrdreg $0x9  }
0x28: {  	_ =	task.clear_ibuf [dreg:s6], $0x4FFFF;
	_ =	strace $0x90000052  }
0x29: {  	s29 =	simm.s32 $0x9;
	_ =	strace $0x80000054  }
0x2a: {  	_ =	swait.ge [sflag:s29], $0x1  }
0x2b: {  	[sflag:s29] =	ssyncadd.s32 $0xFFFFFFFF  }
0x2c: {  	_ =	strace $0x90000054  }
0x2d: {  	_ =	sfence  }
0x2e: {  	s30 =	sld [smem:$0x0];
	_ =	sdelay $0x2  }
0x2f: {  	s31 =	sshll.u32 s3, $0xD;
	s3 =	sshrl.u32 s3, $0x2  }
0x30: {  	s2 =	sand.u32 $0x4000, s31;
	s1 =	sadd.s32 s3, s30  }
0x31: {  	s0 =	sor.u32 s2, s0;
	s1 =	sshll.u32 s1, $0x11  }
0x32: {  	s0 =	sor.u32 s1, s0  }
0x33: {  	s0 =	sadd.s32 $0x8F2B, s0  }
0x34: {  	[sflag:s0] =	ssyncadd.remote.s32 $0x1  }
0x35: {  	_ =	sfence.sel $0xFFFF  }
0x36: {  	[dreg:$0x0] =	wrdreg $0xFFFFFFFF;
	(pc) =	sbr.abs _section_cstart, $3  }
0x37: {  	[dreg:$0x1] =	wrdreg $0xFFFFFFFF  }
0x38: {  	_ =	task.clear_ibuf [dreg:s6], $0x2FFFF;
	_ =	strace $0x9FFFFFFF  }
0x39: {  	(tm) =	ssettm $0x7FFFFFFF  }
tec
execute0_lowered:
.L_overlay_start_1:
0x0: {  	(tag) =	ssettag $0x1  }
0x1: {  	s0 =	srdreg.scid  }
0x2: {  	s1 =	sshll.u32 s0, $0x4  }
0x3: {  	s0 =	stileid.u32;
	s1 =	sand.u32 $0x10, s1  }
0x4: {  	s1 =	sor.u32 s0, s1  }
0x5: {  	s6 =	rddreg [dreg:$0x0];
	s7 =	simm.s32 $0x2;
	s2 =	sshll.u32 s1, $0x7  }
0x6: {  	s13 =	simm.s32 $0x0;
	s8 =	simm.s32 $0x8000;
	s1 =	ssub.s32 $0x1000, s2  }
0x7: {  	s12 =	simm.s32 $0x0;
	s9 =	simm.s32 $0x0;
	s3 =	sand.u32 $0xF80, s1  }
0x8: {  	s11 =	simm.s32 $0x0;
	p0 =	sne.s32 s3, $0x0;
	s3 =	simm.s32 $0x1  }
.Ltmp0:
0x9: {  	s4 =	sshrl.u32 s1, $0xC;
	s3 =	simm.s32 @!p0 $0x0;
	(pc) =	sbr.rel .LBB1_1-.Ltmp0, $4  }
0xa: {  	s5 =	sadd.s32 $0x662C00, s6;
	s1 =	rddreg [dreg:$0x1];
	s4 =	sadd.s32 s3, s4  }
0xb: {  	_ =	strace $0x80000053;
	s3 =	simm.s32 $0x1;
	s4 =	smul.u32 $0x44, s4  }
0xc: {  	s6 =	sadd.s32 $0x2C00, s6;
	s10 =	smov.u32 s2;
	[sflag:s3] =	ssyncpa.u1 $0x0  }
0xd: {  	p0 =	por $0x0, $0x0;
	[sflag:s7] =	ssyncpa.u1 $0x0;
	s7 =	sor.u32 $0x1, s4  }
.LBB1_4:
0xe: {  	v5 =	vld [tilespmem:s16+$0xFFFFFFD0];
	[tilespmem:s17+$0x2040 ss:$0x81] =	vst.msk $0xffff, v3  }
0xf: {  	v58 =	vld [tilespmem:s16+$0xFFFFFFE0];
	[tilespmem:s17+$0x2850 ss:$0x81] =	vst.msk $0xffff, v4;
	s19 =	sshll.u32 s13, $0xC;
	s20 =	sshll.u32 s12, $0x3  }
0x10: {  	s18 =	sshra.s32 s18, $0x2;
	v59 =	vld [tilespmem:s16+$0xFFFFFFF0];
	[tilespmem:s17+$0x3060 ss:$0x81] =	vst.msk $0xffff, v2;
	s19 =	sand.u32 $0xFFFF8000, s19;
	s21 =	sand.u32 $0xFFFFFC00, s20  }
0x11: {  	[tilespmem:s17+$0x0 ss:$0x81] =	vst.msk $0xffff, v0;
	v60 =	vld [tilespmem:s16+$0x0];
	s15 =	sadd.s32 s18, s15;
	s25 =	sadd.s32 s21, s19  }
0x12: {  	v61 =	vld [tilespmem:s16+$0x10];
	[tilespmem:s15+$0x3870 ss:$0x81] =	vst.msk $0xffff, v1;
	s17 =	sshrl.u32 s25, $0xC  }
0x13: {  	v62 =	vld [tilespmem:s16+$0x20];
	s26 =	smulhi.u32 $0x78788, s17;
	[tilespmem:s15+$0x810 ss:$0x81] =	vst.msk $0xffff, v5  }
0x14: {  	v63 =	vld [tilespmem:s16+$0xFFFFFFC0];
	s27 =	sand.u32 $0x78, s12;
	s28 =	sshll.u32 s13, $0x7;
	s29 =	sand.u32 $0xC00, s20;
	[tilespmem:s15+$0x1020 ss:$0x81] =	vst.msk $0xffff, v58  }
0x15: {  	s13 =	sand.u32 $0x380, s28;
	s16 =	sor.u32 s27, s29;
	[tilespmem:s15+$0x1830 ss:$0x81] =	vst.msk $0xffff, v59;
	s18 =	smul.u32 $0x2200, s26  }
0x16: {  	s13 =	sor.u32 s13, s16;
	[tilespmem:s15+$0x2040 ss:$0x81] =	vst.msk $0xffff, v60  }
0x17: {  	s31 =	sand.u32 $0x7, s12;
	s13 =	sshrl.u32 s13, $0x3;
	[tilespmem:s15+$0x2850 ss:$0x81] =	vst.msk $0xffff, v61;
	s30 =	ssub.s32 s17, s18  }
0x18: {  	s12 =	sshll.u32 s31, $0x12;
	[tilespmem:s15+$0x3060 ss:$0x81] =	vst.msk $0xffff, v62;
	s13 =	sadd.s32 s6, s13;
	s16 =	sshll.u32 s30, $0x9  }
0x19: {  	s12 =	sor.u32 $0x400, s12;
	[tilespmem:s15+$0x0 ss:$0x81] =	vst.msk $0xffff, v63;
	s13 =	sadd.s32 s16, s13  }
0x1a: {  	[hbm4b:s13+s12] =	stream.strided.scatter [tilespmem:s14], [sflag:$0x2], $0x4000, s8, s12, $0x20;
	[tilespmem:$0x10100] =	vst v63  }
.LBB1_5:
0x1b: {  	s14 =	sadd.s32 $0x80, s9  }
0x1c: {  	s12 =	sadd.s32 $0x1000, s10;
	s16 =	smov.u32 s10;
	p2 =	sgt.s32 s14, $0x21FF  }
0x1d: {  	s16 =	smov.u32 @p2 s12  }
0x1e: {  	s14 =	simm.s32 @p2 $0x0;
	p2 =	sgt.s32 s16, $0xFFF  }
0x1f: {  	s16 =	smov.u32 @p2 s2;
	p2 =	sne.s32 s11, s7  }
.Ltmp1:
0x20: {  	p1 =	slt.u32 s11, $0x2;
	(pc) =	sbr.rel @!p2 .LBB1_6-.Ltmp1, $4  }
0x21: {  	s15 =	simm.s32 @!p1 $0x2  }
0x22: {  	s13 =	smov.u32 s9;
	p0 =	por !p0, !p0;
	_ =	swait.ge @!p1 [sflag:s15], $0x4000  }
0x23: {  	s12 =	smov.u32 s10;
	[sflag:s15] =	ssyncset.done @!p1 $0x0;
	s9 =	smov.u32 s14  }
0x24: {  	s11 =	sadd.s32 $0x1, s11;
	[sflag:s15] =	ssyncadd.s32 @!p1 $0xFFFFC000;
	s10 =	smov.u32 s16  }
.LBB1_1:
0x25: {  	p1 =	sge.u32 s11, s4  }
0x26: {  	s14 =	sshrl.u32 @!p1 s10, $0x3  }
0x27: {  	s15 =	sshll.u32 @!p1 s9, $0x3;
	s14 =	smul.u32 @!p1 $0x11000, s14  }
0x28: {  	s16 =	sshll.u32 @!p1 s10, $0x7;
	s15 =	sand.u32 @!p1 $0xFFFFFC00, s15  }
0x29: {  	s14 =	sadd.s32 @!p1 s14, s15;
	s15 =	sand.u32 @!p1 $0x380, s16  }
0x2a: {  	s16 =	sand.u32 @!p1 $0x7F, s9;
	s14 =	sor.u32 @!p1 s15, s14  }
0x2b: {  	s15 =	sor.u32 @!p1 s16, s14  }
0x2c: {  	s16 =	smulhi.u32 @!p1 $0xF0F0F0F1, s15;
	_ =	sdelay $0x1  }
0x2d: {  	s14 =	smulhi.u32 @!p1 $0xF0F0F0F1, s14;
	s16 =	sshrl.u32 @!p1 s16, $0xD  }
0x2e: {  	s16 =	smul.u32 @!p1 $0x2200, s16  }
0x2f: {  	s31 =	sadd.s32 $0xFFFFFFFF, s11;
	s17 =	sxor.u32 @!p1 $0xFFFFFFFF, s11;
	s14 =	sshrl.u32 @!p1 s14, $0xD  }
0x30: {  	s17 =	sshll.u32 @!p1 s17, $0xE;
	s14 =	sand.u32 @!p1 $0xFFF, s14;
	s15 =	ssub.s32 @!p1 s15, s16  }
0x31: {  	s14 =	smul.u32 @!p1 $0x440, s14;
	s16 =	sshrl.u32 @!p1 s15, $0x3;
	s15 =	sand.u32 @!p1 $0x7, s15  }
0x32: {  	s17 =	sand.u32 @!p1 $0x4000, s17;
	s16 =	sadd.s32 @!p1 s5, s16;
	s15 =	sshll.u32 @!p1 s15, $0x12  }
0x33: {  	s14 =	sadd.s32 @!p1 s14, s16;
	s15 =	sor.u32 @!p1 $0x400, s15;
	s16 =	simm.s32 @!p1 $0x11000  }
0x34: {  	[tilespmem:s17], [sflag:$0x1] =	stream.strided.gather @!p1 [hbm4b:s14+s15], $0x4000, s16, s15, $0x38;
	[tilespmem:$0x10100] =	vst v63  }
0x35: {  	p1 =	sge.u32 s31, s4  }
.Ltmp2:
0x36: {  	_ = 	snop;
	(pc) =	sbr.rel @p1 .LBB1_5-.Ltmp2, $1  }
0x37: {  	_ =	sdelay $0x3  }
0x38: {  	s14 =	simm.s32 $0x1  }
0x39: {  	_ =	swait.ge [sflag:s3], $0x4000;
	s14 =	simm.s32 @!p0 $0x0  }
0x3a: {  	[sflag:s3] =	ssyncset.done $0x0;
	s15 =	sshll.u32 s14, $0xE  }
0x3b: {  	[sflag:s3] =	ssyncadd.s32 $0xFFFFC000;
	s16 =	sor.u32 $0x40, s15  }
0x3c: {  	s14 =	smul.u32 $0x10200, s14;
	v0 =	vld [tilespmem:s16+$0x30]  }
0x3d: {  	v1 =	vld [tilespmem:s16+$0xFFFFFFD0]  }
0x3e: {  	s14 =	sshrl.u32 s14, $0x2;
	v5 =	vld [tilespmem:s16+$0xFFFFFFE0]  }
0x3f: {  	v6 =	vld [tilespmem:s16+$0xFFFFFFF0];
	s15 =	sor.u32 $0x8000, s14  }
0x40: {  	s31 =	sand.u32 $0x1, s11;
	v3 =	vld [tilespmem:s16+$0x0];
	s17 =	sadd.s32 $0x0, s15  }
0x41: {  	v4 =	vld [tilespmem:s16+$0x10];
	s14 =	smul.u32 $0x10200, s31;
	[tilespmem:s17+$0x3870 ss:$0x81] =	vst.msk $0xffff, v0  }
0x42: {  	v2 =	vld [tilespmem:s16+$0x20];
	[tilespmem:s17+$0x810 ss:$0x81] =	vst.msk $0xffff, v1  }
0x43: {  	s14 =	sshrl.u32 s14, $0x2;
	v0 =	vld [tilespmem:s16+$0xFFFFFFC0];
	[tilespmem:s17+$0x1020 ss:$0x81] =	vst.msk $0xffff, v5;
	s16 =	sadd.s32 $0x80, s16  }
0x44: {  	s18 =	simm.s32 $0x4;
	s19 =	simm.s32 $0x8;
	s14 =	sor.u32 $0x8000, s14;
	[tilespmem:s17+$0x1830 ss:$0x81] =	vst.msk $0xffff, v6;
	v1 =	vld [tilespmem:s16+$0x30]  }
.LBB1_3:
0x45: {  	p1 =	sne.s32 s19, $0x1FC;
	v5 =	vld [tilespmem:s16+$0xFFFFFFD0];
	[tilespmem:s17+$0x2040 ss:$0x81] =	vst.msk $0xffff, v3  }
0x46: {  	v6 =	vld [tilespmem:s16+$0xFFFFFFE0];
	[tilespmem:s17+$0x2850 ss:$0x81] =	vst.msk $0xffff, v4  }
0x47: {  	s20 =	sshra.s32 s18, $0x2;
	s18 =	smov.u32 s19;
	v7 =	vld [tilespmem:s16+$0xFFFFFFF0];
	[tilespmem:s17+$0x3060 ss:$0x81] =	vst.msk $0xffff, v2  }
.Ltmp3:
0x48: {  	v3 =	vld [tilespmem:s16+$0x0];
	[tilespmem:s17+$0x0 ss:$0x81] =	vst.msk $0xffff, v0;
	s17 =	sadd.s32 s20, s15;
	(pc) =	sbr.rel @p1 .LBB1_3-.Ltmp3, $4  }
0x49: {  	v4 =	vld [tilespmem:s16+$0x10];
	[tilespmem:s17+$0x3870 ss:$0x81] =	vst.msk $0xffff, v1  }
0x4a: {  	[tilespmem:s17+$0x810 ss:$0x81] =	vst.msk $0xffff, v5;
	v2 =	vld [tilespmem:s16+$0x20]  }
0x4b: {  	v0 =	vld [tilespmem:s16+$0xFFFFFFC0];
	[tilespmem:s17+$0x1020 ss:$0x81] =	vst.msk $0xffff, v6;
	s16 =	sadd.s32 $0x80, s16  }
0x4c: {  	s19 =	sadd.s32 $0x4, s19;
	v1 =	vld [tilespmem:s16+$0x30];
	[tilespmem:s17+$0x1830 ss:$0x81] =	vst.msk $0xffff, v7  }
.Ltmp4:
0x4d: {  	_ = 	snop;
	(pc) =	sbr.rel .LBB1_4-.Ltmp4, $1  }
0x4e: {  	_ =	sdelay $0x3  }
.LBB1_6:
0x4f: {  	_ =	sfence.sel $0x180000  }
0x50: {  	s2 =	simm.s32 $0x1;
	[bflag:$0x0] =	sbarrier.arrive $0xFFFF  }
0x51: {  	s31 =	simm.s32 $0x2;
	[sflag:s2] =	ssyncpa.u1 $0x1  }
0x52: {  	[sflag:s31] =	ssyncpa.u1 $0x1  }
0x53: {  	p0 =	sne.s32 s0, $0x0;
	_ =	strace $0x90000053  }
0x54: {  	s0 =	sadd.s32 @!p0 $0x100000, s1;
	[bflag:$0x2] =	sbarrier.arrive $0xFFFF  }
0x55: {  	[sflag:s0] =	ssyncadd.tile.s32 @!p0 $0x1;
	_ =	shalt  }
.Lfunc_end1:
_tile_overlayer_lowered:
.L_overlay_start_2:
0x56: {  	(tag) =	ssettag $0x2  }
0x57: {  	s0 =	rddreg [dreg:$0x0];
	s2 =	stileid.u32  }
0x58: {  	s1 =	rddreg [dreg:$0x1];
	p0 =	sne.s32 s2, $0x0  }
0x59: {  	s3 =	rddreg [dreg:$0x2];
	[bflag:$0x3] =	sbarrier.arrive $0xFFFF;
	s2 =	simm.s32 @!p0 $0x1C01  }
0x5a: {  	[timem:s3], [sflag:s2] =	dma.local @!p0 [hbm:s0], s1  }
0x5b: {  	s0 =	simm.s32 @!p0 $0x1  }
0x5c: {  	_ =	swait.ge @!p0 [sflag:s0], s1  }
0x5d: {  	s1 =	ssub.s32 @!p0 $0x0, s1;
	[sflag:s0] =	ssyncset.done @!p0 $0x0  }
0x5e: {  	[sflag:s0] =	ssyncadd.s32 @!p0 s1  }
0x5f: {  	[bflag:$0x3] =	sbarrier.arrive $0xFFFF  }
0x60: {  	_ =	shalt  }

</sc_bundles>
